<compile_context>
chip_gen: v7x
topology: tpu7x:2x2x1
jax: 0.10.2.dev20260603
libtpu: 0.0.44.dev20260713+nightly
codegen_flags: <defaults>
</compile_context>

<pallas_src>
import functools

import jax
import jax.numpy as jnp
from jax import lax
from jax.experimental import pallas as pl
from jax.experimental.pallas import tpu as pltpu
from jax.experimental.pallas import tpu_sc as plsc

_B = 16384
_F = 26
_V = 100000
_D = 32
_DENSE = 13
_IN = _DENSE + _F * _D
_H = 8

_NC = 2
_NS = 16
_NW = _NC * _NS
_PL = _F * _D
_PPW = _PL // _NW
_BC = 4096
_NBC = _B // _BC
_U = 16


@functools.cache
def _make_sc_gather():
    mesh = plsc.VectorSubcoreMesh(core_axis_name="c", subcore_axis_name="s")

    @functools.partial(
        pl.kernel,
        mesh=mesh,
        out_type=jax.ShapeDtypeStruct((_F, _D, _B), jnp.float32),
        compiler_params=pltpu.CompilerParams(needs_layout_passes=False),
        scratch_types=[
            pltpu.VMEM((_V,), jnp.float32),
            pltpu.VMEM((_B,), jnp.int32),
            pltpu.VMEM((2, _BC), jnp.float32),
            pltpu.SemaphoreType.DMA,
            pltpu.SemaphoreType.DMA,
            pltpu.SemaphoreType.DMA,
        ],
    )
    def _sc_gather(idxT_hbm, tablesT_hbm, out_hbm, plane_v, idx_v, out_v,
                   psem, isem, osem):
        wid = lax.axis_index("s") * _NC + lax.axis_index("c")

        def plane_loop(p, f_prev):
            pid = wid * _PPW + p
            f = pid // _D
            d = pid % _D
            cp_p = pltpu.async_copy(tablesT_hbm.at[f, d], plane_v, psem)

            @pl.when(f != f_prev)
            def _():
                pltpu.async_copy(idxT_hbm.at[f], idx_v, isem).wait()

            cp_p.wait()

            cps = []
            for c in range(_NBC):
                if c >= 2:
                    cps[c - 2].wait()
                slot = c % 2

                def gblock(k, carry3, c=c, slot=slot):
                    base = c * _BC + k * (16 * _U)
                    off = k * (16 * _U)
                    ivs = [idx_v[pl.ds(base + u * 16, 16)]
                           for u in range(_U)]
                    vals = [plsc.load_gather(plane_v, [iv]) for iv in ivs]
                    for u in range(_U):
                        out_v[slot, pl.ds(off + u * 16, 16)] = vals[u]
                    return carry3

                lax.fori_loop(0, _BC // (16 * _U), gblock, 0)
                cps.append(pltpu.async_copy(
                    out_v.at[slot], out_hbm.at[f, d, pl.ds(c * _BC, _BC)],
                    osem))
            cps[-2].wait()
            cps[-1].wait()
            return f

        lax.fori_loop(0, _PPW, plane_loop, -1)

    return _sc_gather


def _mlp_body(dT_ref, eT_ref, w1dT_ref, w1eT_ref, b1_ref, w2T_ref, b2_ref,
              outT_ref):
    dT = dT_ref[...]
    eT = eT_ref[...]
    hT = (jnp.dot(w1dT_ref[...], dT, preferred_element_type=jnp.float32)
          + jnp.dot(w1eT_ref[...], eT, preferred_element_type=jnp.float32)
          + b1_ref[...])
    hT = jnp.where(hT >= 0, hT, 0.02 * hT)
    gT = (jnp.dot(w2T_ref[...], hT, preferred_element_type=jnp.float32)
          + b2_ref[...])
    gT = jax.nn.sigmoid(gT)
    outT_ref[...] = jnp.concatenate([dT, eT], axis=0) * gT


_BLK = 1024


@jax.jit
def kernel(dense, indices, tables, W1, b1, W2, b2):
    idxT = indices.astype(jnp.int32).T
    tablesT = tables.transpose(0, 2, 1)
    denseT = dense.T

    embT = _make_sc_gather()(idxT, tablesT)
    embT2 = embT.reshape(_F * _D, _B)

    grid = (_B // _BLK,)
    outT = pl.pallas_call(
        _mlp_body,
        grid=grid,
        in_specs=[
            pl.BlockSpec((_DENSE, _BLK), lambda i: (0, i)),
            pl.BlockSpec((_F * _D, _BLK), lambda i: (0, i)),
            pl.BlockSpec((_H, _DENSE), lambda i: (0, 0)),
            pl.BlockSpec((_H, _F * _D), lambda i: (0, 0)),
            pl.BlockSpec((_H, 1), lambda i: (0, 0)),
            pl.BlockSpec((_IN, _H), lambda i: (0, 0)),
            pl.BlockSpec((_IN, 1), lambda i: (0, 0)),
        ],
        out_specs=pl.BlockSpec((_IN, _BLK), lambda i: (0, i)),
        out_shape=jax.ShapeDtypeStruct((_IN, _B), jnp.float32),
    )(denseT, embT2, W1[:_DENSE].T, W1[_DENSE:].T, b1.reshape(_H, 1),
      W2.T, b2.reshape(_IN, 1))
    return outT.T

# --- scband reference (transcript-rebuilt; emitter-appended) ---
"""Pipeline reference for scband-nnarch-9397388443863 (READ-ONLY COPY).

The authoritative reference and input builder live on the scoring server;
editing this copy changes nothing except your own understanding.
"""

import jax, jax.numpy as jnp
import numpy as np

B = 16384
F = 26          # n_sparse_fields
V = 100000      # num_embeddings per table
D = 32          # embedding_dim
DENSE = 13      # input_size (39) minus F categorical slots -> 13 dense features
IN = DENSE + F * D   # 845, post-embedding feature width
H = 8           # attention hidden size


def setup_inputs(seed: int = 0) -> dict:
    key = jax.random.key(seed)
    k1, k2, k3, k4, k5 = jax.random.split(key, 5)
    indices = jax.random.randint(k1, (B, F), 0, V, dtype=jnp.int64) if jax.config.jax_enable_x64 else jax.random.randint(k1, (B, F), 0, V, dtype=jnp.int32)
    dense = jax.random.normal(k2, (B, DENSE), dtype=jnp.float32)
    # learned params: one embedding table per field (stacked since all same shape)
    tables = jax.random.normal(k3, (F, V, D), dtype=jnp.float32) * 0.02
    W1 = jax.random.normal(k4, (IN, H), dtype=jnp.float32) * 0.05
    b1 = jnp.zeros((H,), dtype=jnp.float32)
    W2 = jax.random.normal(k5, (H, IN), dtype=jnp.float32) * 0.05
    b2 = jnp.zeros((IN,), dtype=jnp.float32)
    return {"dense": dense, "indices": indices, "tables": tables,
            "W1": W1, "b1": b1, "W2": W2, "b2": b2}


def _leaky_relu(x):
    # nn.LeakyReLU(0.02)
    return jnp.where(x >= 0, x, 0.02 * x)


def reference(dense, indices, tables, W1, b1, W2, b2):
    # per-field embedding lookup: tables[i][indices[:, i]] -> [B, F, D]
    emb = jax.vmap(lambda t, idx: jnp.take(t, idx, axis=0), in_axes=(0, 1), out_axes=1)(tables, indices)
    emb_flat = emb.reshape(emb.shape[0], F * D)
    # concatenate embedded categorical features with dense features
    x = jnp.concatenate([dense, emb_flat], axis=-1)  # [B, IN]
    # attention gating: Linear -> LeakyReLU(0.02) -> Linear -> Sigmoid, elementwise gate
    h = _leaky_relu(x @ W1 + b1)
    gate = jax.nn.sigmoid(h @ W2 + b2)
    return x * gate

if __name__ == "__main__":
    import jax
    _d = setup_inputs()
    print(jax.jit(kernel)(*tuple(_d.values())))

</pallas_src>

<mosaic_0001>
#map = affine_map<(d0, d1) -> (0, 0)>
#map1 = affine_map<(d0, d1) -> (0, 0, 0)>
module attributes {stable_mosaic.version = 14 : i64} {
  func.func @_sc_gather(%arg0: i32, %arg1: i32, %arg2: memref<26x16384xi32, #tpu.memory_space<hbm>>, %arg3: memref<26x32x100000xf32, #tpu.memory_space<hbm>>, %arg4: memref<26x32x16384xf32, #tpu.memory_space<hbm>>, %arg5: memref<100000xf32, #tpu.memory_space<vmem>>, %arg6: memref<16384xi32, #tpu.memory_space<vmem>>, %arg7: memref<2x4096xf32, #tpu.memory_space<vmem>>, %arg8: memref<!tpu.dma_semaphore, #tpu.memory_space<semaphore_mem>>, %arg9: memref<!tpu.dma_semaphore, #tpu.memory_space<semaphore_mem>>, %arg10: memref<!tpu.dma_semaphore, #tpu.memory_space<semaphore_mem>>) attributes {dimension_semantics = [#tpu.dimension_semantics<core_parallel>, #tpu.dimension_semantics<subcore_parallel>], iteration_bounds = array<i64: 2, 16>, scalar_prefetch = 0 : i64, scratch_operands = 6 : i64, tpu.core_type = #tpu.core_type<sc_vector_subcore>, window_params = [{transform_indices = #map}, {transform_indices = #map1}, {transform_indices = #map1}]} {
    %mul3A = arith.constant 2 : i32
    %mul3A_0 = arith.muli %arg1, %mul3A : i32
    %add3A = arith.addi %mul3A_0, %arg0 : i32
    %scan3A = arith.constant -1 : i32
    %scan3A_1 = arith.constant 0 : i32
    %scan3A_2 = arith.constant 26 : i32
    %scan3A_3 = arith.addi %scan3A_1, %scan3A_2 : i32
    %scan3A_4 = arith.constant 1 : i32
    %scan3A_5 = scf.for %scan3A_7 = %scan3A_1 to %scan3A_3 step %scan3A_4 iter_args(%scan3A_8 = %scan3A) -> (i32)  : i32 {
      %mul3A_9 = arith.constant 26 : i32
      %mul3A_10 = arith.muli %add3A, %mul3A_9 : i32
      %add3A_11 = arith.addi %mul3A_10, %scan3A_7 : i32
      %jit3A = arith.constant 32 : i32
      %div3A = arith.divsi %add3A_11, %jit3A : i32
      %sign3A = arith.constant 0 : i32
      %sign3A_12 = arith.cmpi sgt, %add3A_11, %sign3A : i32
      %sign3A_13 = arith.extui %sign3A_12 : i1 to i32
      %sign3A_14 = arith.constant 0 : i32
      %sign3A_15 = arith.cmpi slt, %add3A_11, %sign3A_14 : i32
      %sign3A_16 = arith.extui %sign3A_15 : i1 to i32
      %sign3A_17 = arith.subi %sign3A_13, %sign3A_16 : i32
      %sign3A_18 = arith.constant 0 : i32
      %sign3A_19 = arith.cmpi sgt, %jit3A, %sign3A_18 : i32
      %sign3A_20 = arith.extui %sign3A_19 : i1 to i32
      %sign3A_21 = arith.constant 0 : i32
      %sign3A_22 = arith.cmpi slt, %jit3A, %sign3A_21 : i32
      %sign3A_23 = arith.extui %sign3A_22 : i1 to i32
      %sign3A_24 = arith.subi %sign3A_20, %sign3A_23 : i32
      %ne3A = arith.cmpi ne, %sign3A_17, %sign3A_24 : i32
      %rem3A = arith.remsi %add3A_11, %jit3A : i32
      %ne3A_25 = arith.constant 0 : i32
      %ne3A_26 = arith.cmpi ne, %rem3A, %ne3A_25 : i32
      %and3A = arith.andi %ne3A, %ne3A_26 : i1
      %sub3A = arith.constant 1 : i32
      %sub3A_27 = arith.subi %div3A, %sub3A : i32
      %select_n3A = arith.select %and3A, %sub3A_27, %div3A : i32
      %jit3A_28 = arith.constant 32 : i32
      %eq3A = arith.constant 0 : i32
      %eq3A_29 = arith.cmpi eq, %jit3A_28, %eq3A : i32
      %jit3A_30 = arith.constant 1 : i32
      %select_n3A_31 = arith.select %eq3A_29, %jit3A_30, %jit3A_28 : i32
      %rem3A_32 = arith.remsi %add3A_11, %select_n3A_31 : i32
      %ne3A_33 = arith.constant 0 : i32
      %ne3A_34 = arith.cmpi ne, %rem3A_32, %ne3A_33 : i32
      %lt3A = arith.constant 0 : i32
      %lt3A_35 = arith.cmpi slt, %rem3A_32, %lt3A : i32
      %lt3A_36 = arith.constant 0 : i32
      %lt3A_37 = arith.cmpi slt, %select_n3A_31, %lt3A_36 : i32
      %ne3A_38 = arith.xori %lt3A_35, %lt3A_37 : i1
      %and3A_39 = arith.andi %ne3A_38, %ne3A_34 : i1
      %add3A_40 = arith.addi %rem3A_32, %select_n3A_31 : i32
      %select_n3A_41 = arith.select %and3A_39, %add3A_40, %rem3A_32 : i32
      %dma_start3A = arith.constant 0 : i32
      %dma_start3A_42 = tpu.memref_slice %arg3[%select_n3A, %select_n3A_41, %dma_start3A] : memref<26x32x100000xf32, #tpu.memory_space<hbm>> -> memref<1x1x100000xf32, #tpu.memory_space<hbm>>
      %dma_start3A_43 = tpu.memref_squeeze %dma_start3A_42 : memref<1x1x100000xf32, #tpu.memory_space<hbm>> -> memref<100000xf32, #tpu.memory_space<hbm>>
      %dma_start3A_44 = arith.constant 0 : i32
      %dma_start3A_45 = tpu.memref_slice %arg3[%select_n3A, %select_n3A_41, %dma_start3A_44] : memref<26x32x100000xf32, #tpu.memory_space<hbm>> -> memref<1x1x100000xf32, #tpu.memory_space<hbm>>
      %dma_start3A_46 = tpu.memref_squeeze %dma_start3A_45 : memref<1x1x100000xf32, #tpu.memory_space<hbm>> -> memref<100000xf32, #tpu.memory_space<hbm>>
      tpu.enqueue_dma source(%dma_start3A_46 : memref<100000xf32, #tpu.memory_space<hbm>>) target(%arg5 : memref<100000xf32, #tpu.memory_space<vmem>>) target_semaphore(%arg8 : memref<!tpu.dma_semaphore, #tpu.memory_space<semaphore_mem>>)
      %ne3A_47 = arith.cmpi ne, %select_n3A, %scan3A_8 : i32
      %convert_element_type3A = arith.extui %ne3A_47 : i1 to i32
      %cond3A = arith.constant 0 : i32
      %cond3A_48 = arith.cmpi ne, %convert_element_type3A, %cond3A : i32
      scf.if %cond3A_48 {
        %dma_start3A_182 = arith.constant 0 : i32
        %dma_start3A_183 = tpu.memref_slice %arg2[%select_n3A, %dma_start3A_182] : memref<26x16384xi32, #tpu.memory_space<hbm>> -> memref<1x16384xi32, #tpu.memory_space<hbm>>
        %dma_start3A_184 = tpu.memref_squeeze %dma_start3A_183 : memref<1x16384xi32, #tpu.memory_space<hbm>> -> memref<16384xi32, #tpu.memory_space<hbm>>
        %dma_start3A_185 = arith.constant 0 : i32
        %dma_start3A_186 = tpu.memref_slice %arg2[%select_n3A, %dma_start3A_185] : memref<26x16384xi32, #tpu.memory_space<hbm>> -> memref<1x16384xi32, #tpu.memory_space<hbm>>
        %dma_start3A_187 = tpu.memref_squeeze %dma_start3A_186 : memref<1x16384xi32, #tpu.memory_space<hbm>> -> memref<16384xi32, #tpu.memory_space<hbm>>
        tpu.enqueue_dma source(%dma_start3A_187 : memref<16384xi32, #tpu.memory_space<hbm>>) target(%arg6 : memref<16384xi32, #tpu.memory_space<vmem>>) target_semaphore(%arg9 : memref<!tpu.dma_semaphore, #tpu.memory_space<semaphore_mem>>)
        %dma_wait3A_188 = arith.constant 0 : i32
        %dma_wait3A_189 = tpu.memref_slice %arg2[%select_n3A, %dma_wait3A_188] : memref<26x16384xi32, #tpu.memory_space<hbm>> -> memref<1x16384xi32, #tpu.memory_space<hbm>>
        %dma_wait3A_190 = tpu.memref_squeeze %dma_wait3A_189 : memref<1x16384xi32, #tpu.memory_space<hbm>> -> memref<16384xi32, #tpu.memory_space<hbm>>
        %dma_wait3A_191 = arith.constant 0 : i32
        %dma_wait3A_192 = tpu.memref_slice %arg2[%select_n3A, %dma_wait3A_191] : memref<26x16384xi32, #tpu.memory_space<hbm>> -> memref<1x16384xi32, #tpu.memory_space<hbm>>
        %dma_wait3A_193 = tpu.memref_squeeze %dma_wait3A_192 : memref<1x16384xi32, #tpu.memory_space<hbm>> -> memref<16384xi32, #tpu.memory_space<hbm>>
        tpu.wait_dma2 semaphore(%arg9 : memref<!tpu.dma_semaphore, #tpu.memory_space<semaphore_mem>>) src(%dma_wait3A_193 : memref<16384xi32, #tpu.memory_space<hbm>>) dst(%arg6 : memref<16384xi32, #tpu.memory_space<vmem>>)
      } else {
      }
      %dma_wait3A = arith.constant 0 : i32
      %dma_wait3A_49 = tpu.memref_slice %arg3[%select_n3A, %select_n3A_41, %dma_wait3A] : memref<26x32x100000xf32, #tpu.memory_space<hbm>> -> memref<1x1x100000xf32, #tpu.memory_space<hbm>>
      %dma_wait3A_50 = tpu.memref_squeeze %dma_wait3A_49 : memref<1x1x100000xf32, #tpu.memory_space<hbm>> -> memref<100000xf32, #tpu.memory_space<hbm>>
      %dma_wait3A_51 = arith.constant 0 : i32
      %dma_wait3A_52 = tpu.memref_slice %arg3[%select_n3A, %select_n3A_41, %dma_wait3A_51] : memref<26x32x100000xf32, #tpu.memory_space<hbm>> -> memref<1x1x100000xf32, #tpu.memory_space<hbm>>
      %dma_wait3A_53 = tpu.memref_squeeze %dma_wait3A_52 : memref<1x1x100000xf32, #tpu.memory_space<hbm>> -> memref<100000xf32, #tpu.memory_space<hbm>>
      tpu.wait_dma2 semaphore(%arg8 : memref<!tpu.dma_semaphore, #tpu.memory_space<semaphore_mem>>) src(%dma_wait3A_53 : memref<100000xf32, #tpu.memory_space<hbm>>) dst(%arg5 : memref<100000xf32, #tpu.memory_space<vmem>>)
      %scan3A_54 = arith.constant 0 : i32
      %scan3A_55 = arith.constant 0 : i32
      %scan3A_56 = arith.constant 16 : i32
      %scan3A_57 = arith.addi %scan3A_55, %scan3A_56 : i32
      %scan3A_58 = arith.constant 1 : i32
      scf.for %scan3A_182 = %scan3A_55 to %scan3A_57 step %scan3A_58  : i32 {
        %mul3A_183 = arith.constant 256 : i32
        %mul3A_184 = arith.muli %scan3A_182, %mul3A_183 : i32
        %add3A_185 = arith.constant 0 : i32
        %add3A_186 = arith.addi %add3A_185, %mul3A_184 : i32
        %mul3A_187 = arith.constant 256 : i32
        %mul3A_188 = arith.muli %scan3A_182, %mul3A_187 : i32
        %add3A_189 = arith.constant 0 : i32
        %add3A_190 = arith.addi %add3A_186, %add3A_189 : i32
        %get3A = arith.index_cast %add3A_190 : i32 to index
        %get3A_191 = tpu.vector_load %arg6[%get3A] {strides = array<i32>} : memref<16384xi32, #tpu.memory_space<vmem>>, vector<16xi32>,
        %add3A_192 = arith.constant 16 : i32
        %add3A_193 = arith.addi %add3A_186, %add3A_192 : i32
        %get3A_194 = arith.index_cast %add3A_193 : i32 to index
        %get3A_195 = tpu.vector_load %arg6[%get3A_194] {strides = array<i32>} : memref<16384xi32, #tpu.memory_space<vmem>>, vector<16xi32>,
        %add3A_196 = arith.constant 32 : i32
        %add3A_197 = arith.addi %add3A_186, %add3A_196 : i32
        %get3A_198 = arith.index_cast %add3A_197 : i32 to index
        %get3A_199 = tpu.vector_load %arg6[%get3A_198] {strides = array<i32>} : memref<16384xi32, #tpu.memory_space<vmem>>, vector<16xi32>,
        %add3A_200 = arith.constant 48 : i32
        %add3A_201 = arith.addi %add3A_186, %add3A_200 : i32
        %get3A_202 = arith.index_cast %add3A_201 : i32 to index
        %get3A_203 = tpu.vector_load %arg6[%get3A_202] {strides = array<i32>} : memref<16384xi32, #tpu.memory_space<vmem>>, vector<16xi32>,
        %add3A_204 = arith.constant 64 : i32
        %add3A_205 = arith.addi %add3A_186, %add3A_204 : i32
        %get3A_206 = arith.index_cast %add3A_205 : i32 to index
        %get3A_207 = tpu.vector_load %arg6[%get3A_206] {strides = array<i32>} : memref<16384xi32, #tpu.memory_space<vmem>>, vector<16xi32>,
        %add3A_208 = arith.constant 80 : i32
        %add3A_209 = arith.addi %add3A_186, %add3A_208 : i32
        %get3A_210 = arith.index_cast %add3A_209 : i32 to index
        %get3A_211 = tpu.vector_load %arg6[%get3A_210] {strides = array<i32>} : memref<16384xi32, #tpu.memory_space<vmem>>, vector<16xi32>,
        %add3A_212 = arith.constant 96 : i32
        %add3A_213 = arith.addi %add3A_186, %add3A_212 : i32
        %get3A_214 = arith.index_cast %add3A_213 : i32 to index
        %get3A_215 = tpu.vector_load %arg6[%get3A_214] {strides = array<i32>} : memref<16384xi32, #tpu.memory_space<vmem>>, vector<16xi32>,
        %add3A_216 = arith.constant 112 : i32
        %add3A_217 = arith.addi %add3A_186, %add3A_216 : i32
        %get3A_218 = arith.index_cast %add3A_217 : i32 to index
        %get3A_219 = tpu.vector_load %arg6[%get3A_218] {strides = array<i32>} : memref<16384xi32, #tpu.memory_space<vmem>>, vector<16xi32>,
        %add3A_220 = arith.constant 128 : i32
        %add3A_221 = arith.addi %add3A_186, %add3A_220 : i32
        %get3A_222 = arith.index_cast %add3A_221 : i32 to index
        %get3A_223 = tpu.vector_load %arg6[%get3A_222] {strides = array<i32>} : memref<16384xi32, #tpu.memory_space<vmem>>, vector<16xi32>,
        %add3A_224 = arith.constant 144 : i32
        %add3A_225 = arith.addi %add3A_186, %add3A_224 : i32
        %get3A_226 = arith.index_cast %add3A_225 : i32 to index
        %get3A_227 = tpu.vector_load %arg6[%get3A_226] {strides = array<i32>} : memref<16384xi32, #tpu.memory_space<vmem>>, vector<16xi32>,
        %add3A_228 = arith.constant 160 : i32
        %add3A_229 = arith.addi %add3A_186, %add3A_228 : i32
        %get3A_230 = arith.index_cast %add3A_229 : i32 to index
        %get3A_231 = tpu.vector_load %arg6[%get3A_230] {strides = array<i32>} : memref<16384xi32, #tpu.memory_space<vmem>>, vector<16xi32>,
        %add3A_232 = arith.constant 176 : i32
        %add3A_233 = arith.addi %add3A_186, %add3A_232 : i32
        %get3A_234 = arith.index_cast %add3A_233 : i32 to index
        %get3A_235 = tpu.vector_load %arg6[%get3A_234] {strides = array<i32>} : memref<16384xi32, #tpu.memory_space<vmem>>, vector<16xi32>,
        %add3A_236 = arith.constant 192 : i32
        %add3A_237 = arith.addi %add3A_186, %add3A_236 : i32
        %get3A_238 = arith.index_cast %add3A_237 : i32 to index
        %get3A_239 = tpu.vector_load %arg6[%get3A_238] {strides = array<i32>} : memref<16384xi32, #tpu.memory_space<vmem>>, vector<16xi32>,
        %add3A_240 = arith.constant 208 : i32
        %add3A_241 = arith.addi %add3A_186, %add3A_240 : i32
        %get3A_242 = arith.index_cast %add3A_241 : i32 to index
        %get3A_243 = tpu.vector_load %arg6[%get3A_242] {strides = array<i32>} : memref<16384xi32, #tpu.memory_space<vmem>>, vector<16xi32>,
        %add3A_244 = arith.constant 224 : i32
        %add3A_245 = arith.addi %add3A_186, %add3A_244 : i32
        %get3A_246 = arith.index_cast %add3A_245 : i32 to index
        %get3A_247 = tpu.vector_load %arg6[%get3A_246] {strides = array<i32>} : memref<16384xi32, #tpu.memory_space<vmem>>, vector<16xi32>,
        %add3A_248 = arith.constant 240 : i32
        %add3A_249 = arith.addi %add3A_186, %add3A_248 : i32
        %get3A_250 = arith.index_cast %add3A_249 : i32 to index
        %get3A_251 = tpu.vector_load %arg6[%get3A_250] {strides = array<i32>} : memref<16384xi32, #tpu.memory_space<vmem>>, vector<16xi32>,
        %gather3A = tpu.vector_load_idx %arg5[%get3A_191] : memref<100000xf32, #tpu.memory_space<vmem>>[vector<16xi32>], vector<16xf32>,
        %gather3A_252 = tpu.vector_load_idx %arg5[%get3A_195] : memref<100000xf32, #tpu.memory_space<vmem>>[vector<16xi32>], vector<16xf32>,
        %gather3A_253 = tpu.vector_load_idx %arg5[%get3A_199] : memref<100000xf32, #tpu.memory_space<vmem>>[vector<16xi32>], vector<16xf32>,
        %gather3A_254 = tpu.vector_load_idx %arg5[%get3A_203] : memref<100000xf32, #tpu.memory_space<vmem>>[vector<16xi32>], vector<16xf32>,
        %gather3A_255 = tpu.vector_load_idx %arg5[%get3A_207] : memref<100000xf32, #tpu.memory_space<vmem>>[vector<16xi32>], vector<16xf32>,
        %gather3A_256 = tpu.vector_load_idx %arg5[%get3A_211] : memref<100000xf32, #tpu.memory_space<vmem>>[vector<16xi32>], vector<16xf32>,
        %gather3A_257 = tpu.vector_load_idx %arg5[%get3A_215] : memref<100000xf32, #tpu.memory_space<vmem>>[vector<16xi32>], vector<16xf32>,
        %gather3A_258 = tpu.vector_load_idx %arg5[%get3A_219] : memref<100000xf32, #tpu.memory_space<vmem>>[vector<16xi32>], vector<16xf32>,
        %gather3A_259 = tpu.vector_load_idx %arg5[%get3A_223] : memref<100000xf32, #tpu.memory_space<vmem>>[vector<16xi32>], vector<16xf32>,
        %gather3A_260 = tpu.vector_load_idx %arg5[%get3A_227] : memref<100000xf32, #tpu.memory_space<vmem>>[vector<16xi32>], vector<16xf32>,
        %gather3A_261 = tpu.vector_load_idx %arg5[%get3A_231] : memref<100000xf32, #tpu.memory_space<vmem>>[vector<16xi32>], vector<16xf32>,
        %gather3A_262 = tpu.vector_load_idx %arg5[%get3A_235] : memref<100000xf32, #tpu.memory_space<vmem>>[vector<16xi32>], vector<16xf32>,
        %gather3A_263 = tpu.vector_load_idx %arg5[%get3A_239] : memref<100000xf32, #tpu.memory_space<vmem>>[vector<16xi32>], vector<16xf32>,
        %gather3A_264 = tpu.vector_load_idx %arg5[%get3A_243] : memref<100000xf32, #tpu.memory_space<vmem>>[vector<16xi32>], vector<16xf32>,
        %gather3A_265 = tpu.vector_load_idx %arg5[%get3A_247] : memref<100000xf32, #tpu.memory_space<vmem>>[vector<16xi32>], vector<16xf32>,
        %gather3A_266 = tpu.vector_load_idx %arg5[%get3A_251] : memref<100000xf32, #tpu.memory_space<vmem>>[vector<16xi32>], vector<16xf32>,
        %add3A_267 = arith.constant 0 : i32
        %add3A_268 = arith.addi %mul3A_188, %add3A_267 : i32
        %swap3A = arith.constant 0 : i32
        %swap3A_269 = arith.index_cast %swap3A : i32 to index
        %swap3A_270 = arith.index_cast %add3A_268 : i32 to index
        %swap3A_271 = tpu.vector_load %arg7[%swap3A_269, %swap3A_270] {strides = array<i32>} : memref<2x4096xf32, #tpu.memory_space<vmem>>, vector<16xf32>,
        tpu.vector_store %arg7[%swap3A_269, %swap3A_270], %gather3A {strides = array<i32>} : memref<2x4096xf32, #tpu.memory_space<vmem>>, vector<16xf32>,
        %add3A_272 = arith.constant 16 : i32
        %add3A_273 = arith.addi %mul3A_188, %add3A_272 : i32
        %swap3A_274 = arith.constant 0 : i32
        %swap3A_275 = arith.index_cast %swap3A_274 : i32 to index
        %swap3A_276 = arith.index_cast %add3A_273 : i32 to index
        %swap3A_277 = tpu.vector_load %arg7[%swap3A_275, %swap3A_276] {strides = array<i32>} : memref<2x4096xf32, #tpu.memory_space<vmem>>, vector<16xf32>,
        tpu.vector_store %arg7[%swap3A_275, %swap3A_276], %gather3A_252 {strides = array<i32>} : memref<2x4096xf32, #tpu.memory_space<vmem>>, vector<16xf32>,
        %add3A_278 = arith.constant 32 : i32
        %add3A_279 = arith.addi %mul3A_188, %add3A_278 : i32
        %swap3A_280 = arith.constant 0 : i32
        %swap3A_281 = arith.index_cast %swap3A_280 : i32 to index
        %swap3A_282 = arith.index_cast %add3A_279 : i32 to index
        %swap3A_283 = tpu.vector_load %arg7[%swap3A_281, %swap3A_282] {strides = array<i32>} : memref<2x4096xf32, #tpu.memory_space<vmem>>, vector<16xf32>,
        tpu.vector_store %arg7[%swap3A_281, %swap3A_282], %gather3A_253 {strides = array<i32>} : memref<2x4096xf32, #tpu.memory_space<vmem>>, vector<16xf32>,
        %add3A_284 = arith.constant 48 : i32
        %add3A_285 = arith.addi %mul3A_188, %add3A_284 : i32
        %swap3A_286 = arith.constant 0 : i32
        %swap3A_287 = arith.index_cast %swap3A_286 : i32 to index
        %swap3A_288 = arith.index_cast %add3A_285 : i32 to index
        %swap3A_289 = tpu.vector_load %arg7[%swap3A_287, %swap3A_288] {strides = array<i32>} : memref<2x4096xf32, #tpu.memory_space<vmem>>, vector<16xf32>,
        tpu.vector_store %arg7[%swap3A_287, %swap3A_288], %gather3A_254 {strides = array<i32>} : memref<2x4096xf32, #tpu.memory_space<vmem>>, vector<16xf32>,
        %add3A_290 = arith.constant 64 : i32
        %add3A_291 = arith.addi %mul3A_188, %add3A_290 : i32
        %swap3A_292 = arith.constant 0 : i32
        %swap3A_293 = arith.index_cast %swap3A_292 : i32 to index
        %swap3A_294 = arith.index_cast %add3A_291 : i32 to index
        %swap3A_295 = tpu.vector_load %arg7[%swap3A_293, %swap3A_294] {strides = array<i32>} : memref<2x4096xf32, #tpu.memory_space<vmem>>, vector<16xf32>,
        tpu.vector_store %arg7[%swap3A_293, %swap3A_294], %gather3A_255 {strides = array<i32>} : memref<2x4096xf32, #tpu.memory_space<vmem>>, vector<16xf32>,
        %add3A_296 = arith.constant 80 : i32
        %add3A_297 = arith.addi %mul3A_188, %add3A_296 : i32
        %swap3A_298 = arith.constant 0 : i32
        %swap3A_299 = arith.index_cast %swap3A_298 : i32 to index
        %swap3A_300 = arith.index_cast %add3A_297 : i32 to index
        %swap3A_301 = tpu.vector_load %arg7[%swap3A_299, %swap3A_300] {strides = array<i32>} : memref<2x4096xf32, #tpu.memory_space<vmem>>, vector<16xf32>,
        tpu.vector_store %arg7[%swap3A_299, %swap3A_300], %gather3A_256 {strides = array<i32>} : memref<2x4096xf32, #tpu.memory_space<vmem>>, vector<16xf32>,
        %add3A_302 = arith.constant 96 : i32
        %add3A_303 = arith.addi %mul3A_188, %add3A_302 : i32
        %swap3A_304 = arith.constant 0 : i32
        %swap3A_305 = arith.index_cast %swap3A_304 : i32 to index
        %swap3A_306 = arith.index_cast %add3A_303 : i32 to index
        %swap3A_307 = tpu.vector_load %arg7[%swap3A_305, %swap3A_306] {strides = array<i32>} : memref<2x4096xf32, #tpu.memory_space<vmem>>, vector<16xf32>,
        tpu.vector_store %arg7[%swap3A_305, %swap3A_306], %gather3A_257 {strides = array<i32>} : memref<2x4096xf32, #tpu.memory_space<vmem>>, vector<16xf32>,
        %add3A_308 = arith.constant 112 : i32
        %add3A_309 = arith.addi %mul3A_188, %add3A_308 : i32
        %swap3A_310 = arith.constant 0 : i32
        %swap3A_311 = arith.index_cast %swap3A_310 : i32 to index
        %swap3A_312 = arith.index_cast %add3A_309 : i32 to index
        %swap3A_313 = tpu.vector_load %arg7[%swap3A_311, %swap3A_312] {strides = array<i32>} : memref<2x4096xf32, #tpu.memory_space<vmem>>, vector<16xf32>,
        tpu.vector_store %arg7[%swap3A_311, %swap3A_312], %gather3A_258 {strides = array<i32>} : memref<2x4096xf32, #tpu.memory_space<vmem>>, vector<16xf32>,
        %add3A_314 = arith.constant 128 : i32
        %add3A_315 = arith.addi %mul3A_188, %add3A_314 : i32
        %swap3A_316 = arith.constant 0 : i32
        %swap3A_317 = arith.index_cast %swap3A_316 : i32 to index
        %swap3A_318 = arith.index_cast %add3A_315 : i32 to index
        %swap3A_319 = tpu.vector_load %arg7[%swap3A_317, %swap3A_318] {strides = array<i32>} : memref<2x4096xf32, #tpu.memory_space<vmem>>, vector<16xf32>,
        tpu.vector_store %arg7[%swap3A_317, %swap3A_318], %gather3A_259 {strides = array<i32>} : memref<2x4096xf32, #tpu.memory_space<vmem>>, vector<16xf32>,
        %add3A_320 = arith.constant 144 : i32
        %add3A_321 = arith.addi %mul3A_188, %add3A_320 : i32
        %swap3A_322 = arith.constant 0 : i32
        %swap3A_323 = arith.index_cast %swap3A_322 : i32 to index
        %swap3A_324 = arith.index_cast %add3A_321 : i32 to index
        %swap3A_325 = tpu.vector_load %arg7[%swap3A_323, %swap3A_324] {strides = array<i32>} : memref<2x4096xf32, #tpu.memory_space<vmem>>, vector<16xf32>,
        tpu.vector_store %arg7[%swap3A_323, %swap3A_324], %gather3A_260 {strides = array<i32>} : memref<2x4096xf32, #tpu.memory_space<vmem>>, vector<16xf32>,
        %add3A_326 = arith.constant 160 : i32
        %add3A_327 = arith.addi %mul3A_188, %add3A_326 : i32
        %swap3A_328 = arith.constant 0 : i32
        %swap3A_329 = arith.index_cast %swap3A_328 : i32 to index
        %swap3A_330 = arith.index_cast %add3A_327 : i32 to index
        %swap3A_331 = tpu.vector_load %arg7[%swap3A_329, %swap3A_330] {strides = array<i32>} : memref<2x4096xf32, #tpu.memory_space<vmem>>, vector<16xf32>,
        tpu.vector_store %arg7[%swap3A_329, %swap3A_330], %gather3A_261 {strides = array<i32>} : memref<2x4096xf32, #tpu.memory_space<vmem>>, vector<16xf32>,
        %add3A_332 = arith.constant 176 : i32
        %add3A_333 = arith.addi %mul3A_188, %add3A_332 : i32
        %swap3A_334 = arith.constant 0 : i32
        %swap3A_335 = arith.index_cast %swap3A_334 : i32 to index
        %swap3A_336 = arith.index_cast %add3A_333 : i32 to index
        %swap3A_337 = tpu.vector_load %arg7[%swap3A_335, %swap3A_336] {strides = array<i32>} : memref<2x4096xf32, #tpu.memory_space<vmem>>, vector<16xf32>,
        tpu.vector_store %arg7[%swap3A_335, %swap3A_336], %gather3A_262 {strides = array<i32>} : memref<2x4096xf32, #tpu.memory_space<vmem>>, vector<16xf32>,
        %add3A_338 = arith.constant 192 : i32
        %add3A_339 = arith.addi %mul3A_188, %add3A_338 : i32
        %swap3A_340 = arith.constant 0 : i32
        %swap3A_341 = arith.index_cast %swap3A_340 : i32 to index
        %swap3A_342 = arith.index_cast %add3A_339 : i32 to index
        %swap3A_343 = tpu.vector_load %arg7[%swap3A_341, %swap3A_342] {strides = array<i32>} : memref<2x4096xf32, #tpu.memory_space<vmem>>, vector<16xf32>,
        tpu.vector_store %arg7[%swap3A_341, %swap3A_342], %gather3A_263 {strides = array<i32>} : memref<2x4096xf32, #tpu.memory_space<vmem>>, vector<16xf32>,
        %add3A_344 = arith.constant 208 : i32
        %add3A_345 = arith.addi %mul3A_188, %add3A_344 : i32
        %swap3A_346 = arith.constant 0 : i32
        %swap3A_347 = arith.index_cast %swap3A_346 : i32 to index
        %swap3A_348 = arith.index_cast %add3A_345 : i32 to index
        %swap3A_349 = tpu.vector_load %arg7[%swap3A_347, %swap3A_348] {strides = array<i32>} : memref<2x4096xf32, #tpu.memory_space<vmem>>, vector<16xf32>,
        tpu.vector_store %arg7[%swap3A_347, %swap3A_348], %gather3A_264 {strides = array<i32>} : memref<2x4096xf32, #tpu.memory_space<vmem>>, vector<16xf32>,
        %add3A_350 = arith.constant 224 : i32
        %add3A_351 = arith.addi %mul3A_188, %add3A_350 : i32
        %swap3A_352 = arith.constant 0 : i32
        %swap3A_353 = arith.index_cast %swap3A_352 : i32 to index
        %swap3A_354 = arith.index_cast %add3A_351 : i32 to index
        %swap3A_355 = tpu.vector_load %arg7[%swap3A_353, %swap3A_354] {strides = array<i32>} : memref<2x4096xf32, #tpu.memory_space<vmem>>, vector<16xf32>,
        tpu.vector_store %arg7[%swap3A_353, %swap3A_354], %gather3A_265 {strides = array<i32>} : memref<2x4096xf32, #tpu.memory_space<vmem>>, vector<16xf32>,
        %add3A_356 = arith.constant 240 : i32
        %add3A_357 = arith.addi %mul3A_188, %add3A_356 : i32
        %swap3A_358 = arith.constant 0 : i32
        %swap3A_359 = arith.index_cast %swap3A_358 : i32 to index
        %swap3A_360 = arith.index_cast %add3A_357 : i32 to index
        %swap3A_361 = tpu.vector_load %arg7[%swap3A_359, %swap3A_360] {strides = array<i32>} : memref<2x4096xf32, #tpu.memory_space<vmem>>, vector<16xf32>,
        tpu.vector_store %arg7[%swap3A_359, %swap3A_360], %gather3A_266 {strides = array<i32>} : memref<2x4096xf32, #tpu.memory_space<vmem>>, vector<16xf32>,
      }
      %scan3A_59 = arith.constant 16 : i32
      %dma_start3A_60 = arith.constant 0 : i32
      %dma_start3A_61 = arith.constant 0 : i32
      %dma_start3A_62 = tpu.memref_slice %arg7[%dma_start3A_60, %dma_start3A_61] : memref<2x4096xf32, #tpu.memory_space<vmem>> -> memref<1x4096xf32, #tpu.memory_space<vmem>>
      %dma_start3A_63 = tpu.memref_squeeze %dma_start3A_62 : memref<1x4096xf32, #tpu.memory_space<vmem>> -> memref<4096xf32, #tpu.memory_space<vmem>>
      %dma_start3A_64 = arith.constant 0 : i32
      %dma_start3A_65 = tpu.memref_slice %arg4[%select_n3A, %select_n3A_41, %dma_start3A_64] : memref<26x32x16384xf32, #tpu.memory_space<hbm>> -> memref<1x1x4096xf32, #tpu.memory_space<hbm>>
      %dma_start3A_66 = tpu.memref_squeeze %dma_start3A_65 : memref<1x1x4096xf32, #tpu.memory_space<hbm>> -> memref<4096xf32, #tpu.memory_space<hbm>>
      %dma_start3A_67 = arith.constant 0 : i32
      %dma_start3A_68 = tpu.memref_slice %arg4[%select_n3A, %select_n3A_41, %dma_start3A_67] : memref<26x32x16384xf32, #tpu.memory_space<hbm>> -> memref<1x1x4096xf32, #tpu.memory_space<hbm>>
      %dma_start3A_69 = tpu.memref_squeeze %dma_start3A_68 : memref<1x1x4096xf32, #tpu.memory_space<hbm>> -> memref<4096xf32, #tpu.memory_space<hbm>>
      %dma_start3A_70 = arith.constant 0 : i32
      %dma_start3A_71 = tpu.memref_slice %arg7[%dma_start3A_60, %dma_start3A_70] : memref<2x4096xf32, #tpu.memory_space<vmem>> -> memref<1x4096xf32, #tpu.memory_space<vmem>>
      %dma_start3A_72 = tpu.memref_squeeze %dma_start3A_71 : memref<1x4096xf32, #tpu.memory_space<vmem>> -> memref<4096xf32, #tpu.memory_space<vmem>>
      tpu.enqueue_dma source(%dma_start3A_72 : memref<4096xf32, #tpu.memory_space<vmem>>) target(%dma_start3A_69 : memref<4096xf32, #tpu.memory_space<hbm>>) target_semaphore(%arg10 : memref<!tpu.dma_semaphore, #tpu.memory_space<semaphore_mem>>)
      %scan3A_73 = arith.constant 0 : i32
      %scan3A_74 = arith.constant 0 : i32
      %scan3A_75 = arith.constant 16 : i32
      %scan3A_76 = arith.addi %scan3A_74, %scan3A_75 : i32
      %scan3A_77 = arith.constant 1 : i32
      scf.for %scan3A_182 = %scan3A_74 to %scan3A_76 step %scan3A_77  : i32 {
        %mul3A_183 = arith.constant 256 : i32
        %mul3A_184 = arith.muli %scan3A_182, %mul3A_183 : i32
        %add3A_185 = arith.constant 4096 : i32
        %add3A_186 = arith.addi %add3A_185, %mul3A_184 : i32
        %mul3A_187 = arith.constant 256 : i32
        %mul3A_188 = arith.muli %scan3A_182, %mul3A_187 : i32
        %add3A_189 = arith.constant 0 : i32
        %add3A_190 = arith.addi %add3A_186, %add3A_189 : i32
        %get3A = arith.index_cast %add3A_190 : i32 to index
        %get3A_191 = tpu.vector_load %arg6[%get3A] {strides = array<i32>} : memref<16384xi32, #tpu.memory_space<vmem>>, vector<16xi32>,
        %add3A_192 = arith.constant 16 : i32
        %add3A_193 = arith.addi %add3A_186, %add3A_192 : i32
        %get3A_194 = arith.index_cast %add3A_193 : i32 to index
        %get3A_195 = tpu.vector_load %arg6[%get3A_194] {strides = array<i32>} : memref<16384xi32, #tpu.memory_space<vmem>>, vector<16xi32>,
        %add3A_196 = arith.constant 32 : i32
        %add3A_197 = arith.addi %add3A_186, %add3A_196 : i32
        %get3A_198 = arith.index_cast %add3A_197 : i32 to index
        %get3A_199 = tpu.vector_load %arg6[%get3A_198] {strides = array<i32>} : memref<16384xi32, #tpu.memory_space<vmem>>, vector<16xi32>,
        %add3A_200 = arith.constant 48 : i32
        %add3A_201 = arith.addi %add3A_186, %add3A_200 : i32
        %get3A_202 = arith.index_cast %add3A_201 : i32 to index
        %get3A_203 = tpu.vector_load %arg6[%get3A_202] {strides = array<i32>} : memref<16384xi32, #tpu.memory_space<vmem>>, vector<16xi32>,
        %add3A_204 = arith.constant 64 : i32
        %add3A_205 = arith.addi %add3A_186, %add3A_204 : i32
        %get3A_206 = arith.index_cast %add3A_205 : i32 to index
        %get3A_207 = tpu.vector_load %arg6[%get3A_206] {strides = array<i32>} : memref<16384xi32, #tpu.memory_space<vmem>>, vector<16xi32>,
        %add3A_208 = arith.constant 80 : i32
        %add3A_209 = arith.addi %add3A_186, %add3A_208 : i32
        %get3A_210 = arith.index_cast %add3A_209 : i32 to index
        %get3A_211 = tpu.vector_load %arg6[%get3A_210] {strides = array<i32>} : memref<16384xi32, #tpu.memory_space<vmem>>, vector<16xi32>,
        %add3A_212 = arith.constant 96 : i32
        %add3A_213 = arith.addi %add3A_186, %add3A_212 : i32
        %get3A_214 = arith.index_cast %add3A_213 : i32 to index
        %get3A_215 = tpu.vector_load %arg6[%get3A_214] {strides = array<i32>} : memref<16384xi32, #tpu.memory_space<vmem>>, vector<16xi32>,
        %add3A_216 = arith.constant 112 : i32
        %add3A_217 = arith.addi %add3A_186, %add3A_216 : i32
        %get3A_218 = arith.index_cast %add3A_217 : i32 to index
        %get3A_219 = tpu.vector_load %arg6[%get3A_218] {strides = array<i32>} : memref<16384xi32, #tpu.memory_space<vmem>>, vector<16xi32>,
        %add3A_220 = arith.constant 128 : i32
        %add3A_221 = arith.addi %add3A_186, %add3A_220 : i32
        %get3A_222 = arith.index_cast %add3A_221 : i32 to index
        %get3A_223 = tpu.vector_load %arg6[%get3A_222] {strides = array<i32>} : memref<16384xi32, #tpu.memory_space<vmem>>, vector<16xi32>,
        %add3A_224 = arith.constant 144 : i32
        %add3A_225 = arith.addi %add3A_186, %add3A_224 : i32
        %get3A_226 = arith.index_cast %add3A_225 : i32 to index
        %get3A_227 = tpu.vector_load %arg6[%get3A_226] {strides = array<i32>} : memref<16384xi32, #tpu.memory_space<vmem>>, vector<16xi32>,
        %add3A_228 = arith.constant 160 : i32
        %add3A_229 = arith.addi %add3A_186, %add3A_228 : i32
        %get3A_230 = arith.index_cast %add3A_229 : i32 to index
        %get3A_231 = tpu.vector_load %arg6[%get3A_230] {strides = array<i32>} : memref<16384xi32, #tpu.memory_space<vmem>>, vector<16xi32>,
        %add3A_232 = arith.constant 176 : i32
        %add3A_233 = arith.addi %add3A_186, %add3A_232 : i32
        %get3A_234 = arith.index_cast %add3A_233 : i32 to index
        %get3A_235 = tpu.vector_load %arg6[%get3A_234] {strides = array<i32>} : memref<16384xi32, #tpu.memory_space<vmem>>, vector<16xi32>,
        %add3A_236 = arith.constant 192 : i32
        %add3A_237 = arith.addi %add3A_186, %add3A_236 : i32
        %get3A_238 = arith.index_cast %add3A_237 : i32 to index
        %get3A_239 = tpu.vector_load %arg6[%get3A_238] {strides = array<i32>} : memref<16384xi32, #tpu.memory_space<vmem>>, vector<16xi32>,
        %add3A_240 = arith.constant 208 : i32
        %add3A_241 = arith.addi %add3A_186, %add3A_240 : i32
        %get3A_242 = arith.index_cast %add3A_241 : i32 to index
        %get3A_243 = tpu.vector_load %arg6[%get3A_242] {strides = array<i32>} : memref<16384xi32, #tpu.memory_space<vmem>>, vector<16xi32>,
        %add3A_244 = arith.constant 224 : i32
        %add3A_245 = arith.addi %add3A_186, %add3A_244 : i32
        %get3A_246 = arith.index_cast %add3A_245 : i32 to index
        %get3A_247 = tpu.vector_load %arg6[%get3A_246] {strides = array<i32>} : memref<16384xi32, #tpu.memory_space<vmem>>, vector<16xi32>,
        %add3A_248 = arith.constant 240 : i32
        %add3A_249 = arith.addi %add3A_186, %add3A_248 : i32
        %get3A_250 = arith.index_cast %add3A_249 : i32 to index
        %get3A_251 = tpu.vector_load %arg6[%get3A_250] {strides = array<i32>} : memref<16384xi32, #tpu.memory_space<vmem>>, vector<16xi32>,
        %gather3A = tpu.vector_load_idx %arg5[%get3A_191] : memref<100000xf32, #tpu.memory_space<vmem>>[vector<16xi32>], vector<16xf32>,
        %gather3A_252 = tpu.vector_load_idx %arg5[%get3A_195] : memref<100000xf32, #tpu.memory_space<vmem>>[vector<16xi32>], vector<16xf32>,
        %gather3A_253 = tpu.vector_load_idx %arg5[%get3A_199] : memref<100000xf32, #tpu.memory_space<vmem>>[vector<16xi32>], vector<16xf32>,
        %gather3A_254 = tpu.vector_load_idx %arg5[%get3A_203] : memref<100000xf32, #tpu.memory_space<vmem>>[vector<16xi32>], vector<16xf32>,
        %gather3A_255 = tpu.vector_load_idx %arg5[%get3A_207] : memref<100000xf32, #tpu.memory_space<vmem>>[vector<16xi32>], vector<16xf32>,
        %gather3A_256 = tpu.vector_load_idx %arg5[%get3A_211] : memref<100000xf32, #tpu.memory_space<vmem>>[vector<16xi32>], vector<16xf32>,
        %gather3A_257 = tpu.vector_load_idx %arg5[%get3A_215] : memref<100000xf32, #tpu.memory_space<vmem>>[vector<16xi32>], vector<16xf32>,
        %gather3A_258 = tpu.vector_load_idx %arg5[%get3A_219] : memref<100000xf32, #tpu.memory_space<vmem>>[vector<16xi32>], vector<16xf32>,
        %gather3A_259 = tpu.vector_load_idx %arg5[%get3A_223] : memref<100000xf32, #tpu.memory_space<vmem>>[vector<16xi32>], vector<16xf32>,
        %gather3A_260 = tpu.vector_load_idx %arg5[%get3A_227] : memref<100000xf32, #tpu.memory_space<vmem>>[vector<16xi32>], vector<16xf32>,
        %gather3A_261 = tpu.vector_load_idx %arg5[%get3A_231] : memref<100000xf32, #tpu.memory_space<vmem>>[vector<16xi32>], vector<16xf32>,
        %gather3A_262 = tpu.vector_load_idx %arg5[%get3A_235] : memref<100000xf32, #tpu.memory_space<vmem>>[vector<16xi32>], vector<16xf32>,
        %gather3A_263 = tpu.vector_load_idx %arg5[%get3A_239] : memref<100000xf32, #tpu.memory_space<vmem>>[vector<16xi32>], vector<16xf32>,
        %gather3A_264 = tpu.vector_load_idx %arg5[%get3A_243] : memref<100000xf32, #tpu.memory_space<vmem>>[vector<16xi32>], vector<16xf32>,
        %gather3A_265 = tpu.vector_load_idx %arg5[%get3A_247] : memref<100000xf32, #tpu.memory_space<vmem>>[vector<16xi32>], vector<16xf32>,
        %gather3A_266 = tpu.vector_load_idx %arg5[%get3A_251] : memref<100000xf32, #tpu.memory_space<vmem>>[vector<16xi32>], vector<16xf32>,
        %add3A_267 = arith.constant 0 : i32
        %add3A_268 = arith.addi %mul3A_188, %add3A_267 : i32
        %swap3A = arith.constant 1 : i32
        %swap3A_269 = arith.index_cast %swap3A : i32 to index
        %swap3A_270 = arith.index_cast %add3A_268 : i32 to index
        %swap3A_271 = tpu.vector_load %arg7[%swap3A_269, %swap3A_270] {strides = array<i32>} : memref<2x4096xf32, #tpu.memory_space<vmem>>, vector<16xf32>,
        tpu.vector_store %arg7[%swap3A_269, %swap3A_270], %gather3A {strides = array<i32>} : memref<2x4096xf32, #tpu.memory_space<vmem>>, vector<16xf32>,
        %add3A_272 = arith.constant 16 : i32
        %add3A_273 = arith.addi %mul3A_188, %add3A_272 : i32
        %swap3A_274 = arith.constant 1 : i32
        %swap3A_275 = arith.index_cast %swap3A_274 : i32 to index
        %swap3A_276 = arith.index_cast %add3A_273 : i32 to index
        %swap3A_277 = tpu.vector_load %arg7[%swap3A_275, %swap3A_276] {strides = array<i32>} : memref<2x4096xf32, #tpu.memory_space<vmem>>, vector<16xf32>,
        tpu.vector_store %arg7[%swap3A_275, %swap3A_276], %gather3A_252 {strides = array<i32>} : memref<2x4096xf32, #tpu.memory_space<vmem>>, vector<16xf32>,
        %add3A_278 = arith.constant 32 : i32
        %add3A_279 = arith.addi %mul3A_188, %add3A_278 : i32
        %swap3A_280 = arith.constant 1 : i32
        %swap3A_281 = arith.index_cast %swap3A_280 : i32 to index
        %swap3A_282 = arith.index_cast %add3A_279 : i32 to index
        %swap3A_283 = tpu.vector_load %arg7[%swap3A_281, %swap3A_282] {strides = array<i32>} : memref<2x4096xf32, #tpu.memory_space<vmem>>, vector<16xf32>,
        tpu.vector_store %arg7[%swap3A_281, %swap3A_282], %gather3A_253 {strides = array<i32>} : memref<2x4096xf32, #tpu.memory_space<vmem>>, vector<16xf32>,
        %add3A_284 = arith.constant 48 : i32
        %add3A_285 = arith.addi %mul3A_188, %add3A_284 : i32
        %swap3A_286 = arith.constant 1 : i32
        %swap3A_287 = arith.index_cast %swap3A_286 : i32 to index
        %swap3A_288 = arith.index_cast %add3A_285 : i32 to index
        %swap3A_289 = tpu.vector_load %arg7[%swap3A_287, %swap3A_288] {strides = array<i32>} : memref<2x4096xf32, #tpu.memory_space<vmem>>, vector<16xf32>,
        tpu.vector_store %arg7[%swap3A_287, %swap3A_288], %gather3A_254 {strides = array<i32>} : memref<2x4096xf32, #tpu.memory_space<vmem>>, vector<16xf32>,
        %add3A_290 = arith.constant 64 : i32
        %add3A_291 = arith.addi %mul3A_188, %add3A_290 : i32
        %swap3A_292 = arith.constant 1 : i32
        %swap3A_293 = arith.index_cast %swap3A_292 : i32 to index
        %swap3A_294 = arith.index_cast %add3A_291 : i32 to index
        %swap3A_295 = tpu.vector_load %arg7[%swap3A_293, %swap3A_294] {strides = array<i32>} : memref<2x4096xf32, #tpu.memory_space<vmem>>, vector<16xf32>,
        tpu.vector_store %arg7[%swap3A_293, %swap3A_294], %gather3A_255 {strides = array<i32>} : memref<2x4096xf32, #tpu.memory_space<vmem>>, vector<16xf32>,
        %add3A_296 = arith.constant 80 : i32
        %add3A_297 = arith.addi %mul3A_188, %add3A_296 : i32
        %swap3A_298 = arith.constant 1 : i32
        %swap3A_299 = arith.index_cast %swap3A_298 : i32 to index
        %swap3A_300 = arith.index_cast %add3A_297 : i32 to index
        %swap3A_301 = tpu.vector_load %arg7[%swap3A_299, %swap3A_300] {strides = array<i32>} : memref<2x4096xf32, #tpu.memory_space<vmem>>, vector<16xf32>,
        tpu.vector_store %arg7[%swap3A_299, %swap3A_300], %gather3A_256 {strides = array<i32>} : memref<2x4096xf32, #tpu.memory_space<vmem>>, vector<16xf32>,
        %add3A_302 = arith.constant 96 : i32
        %add3A_303 = arith.addi %mul3A_188, %add3A_302 : i32
        %swap3A_304 = arith.constant 1 : i32
        %swap3A_305 = arith.index_cast %swap3A_304 : i32 to index
        %swap3A_306 = arith.index_cast %add3A_303 : i32 to index
        %swap3A_307 = tpu.vector_load %arg7[%swap3A_305, %swap3A_306] {strides = array<i32>} : memref<2x4096xf32, #tpu.memory_space<vmem>>, vector<16xf32>,
        tpu.vector_store %arg7[%swap3A_305, %swap3A_306], %gather3A_257 {strides = array<i32>} : memref<2x4096xf32, #tpu.memory_space<vmem>>, vector<16xf32>,
        %add3A_308 = arith.constant 112 : i32
        %add3A_309 = arith.addi %mul3A_188, %add3A_308 : i32
        %swap3A_310 = arith.constant 1 : i32
        %swap3A_311 = arith.index_cast %swap3A_310 : i32 to index
        %swap3A_312 = arith.index_cast %add3A_309 : i32 to index
        %swap3A_313 = tpu.vector_load %arg7[%swap3A_311, %swap3A_312] {strides = array<i32>} : memref<2x4096xf32, #tpu.memory_space<vmem>>, vector<16xf32>,
        tpu.vector_store %arg7[%swap3A_311, %swap3A_312], %gather3A_258 {strides = array<i32>} : memref<2x4096xf32, #tpu.memory_space<vmem>>, vector<16xf32>,
        %add3A_314 = arith.constant 128 : i32
        %add3A_315 = arith.addi %mul3A_188, %add3A_314 : i32
        %swap3A_316 = arith.constant 1 : i32
        %swap3A_317 = arith.index_cast %swap3A_316 : i32 to index
        %swap3A_318 = arith.index_cast %add3A_315 : i32 to index
        %swap3A_319 = tpu.vector_load %arg7[%swap3A_317, %swap3A_318] {strides = array<i32>} : memref<2x4096xf32, #tpu.memory_space<vmem>>, vector<16xf32>,
        tpu.vector_store %arg7[%swap3A_317, %swap3A_318], %gather3A_259 {strides = array<i32>} : memref<2x4096xf32, #tpu.memory_space<vmem>>, vector<16xf32>,
        %add3A_320 = arith.constant 144 : i32
        %add3A_321 = arith.addi %mul3A_188, %add3A_320 : i32
        %swap3A_322 = arith.constant 1 : i32
        %swap3A_323 = arith.index_cast %swap3A_322 : i32 to index
        %swap3A_324 = arith.index_cast %add3A_321 : i32 to index
        %swap3A_325 = tpu.vector_load %arg7[%swap3A_323, %swap3A_324] {strides = array<i32>} : memref<2x4096xf32, #tpu.memory_space<vmem>>, vector<16xf32>,
        tpu.vector_store %arg7[%swap3A_323, %swap3A_324], %gather3A_260 {strides = array<i32>} : memref<2x4096xf32, #tpu.memory_space<vmem>>, vector<16xf32>,
        %add3A_326 = arith.constant 160 : i32
        %add3A_327 = arith.addi %mul3A_188, %add3A_326 : i32
        %swap3A_328 = arith.constant 1 : i32
        %swap3A_329 = arith.index_cast %swap3A_328 : i32 to index
        %swap3A_330 = arith.index_cast %add3A_327 : i32 to index
        %swap3A_331 = tpu.vector_load %arg7[%swap3A_329, %swap3A_330] {strides = array<i32>} : memref<2x4096xf32, #tpu.memory_space<vmem>>, vector<16xf32>,
        tpu.vector_store %arg7[%swap3A_329, %swap3A_330], %gather3A_261 {strides = array<i32>} : memref<2x4096xf32, #tpu.memory_space<vmem>>, vector<16xf32>,
        %add3A_332 = arith.constant 176 : i32
        %add3A_333 = arith.addi %mul3A_188, %add3A_332 : i32
        %swap3A_334 = arith.constant 1 : i32
        %swap3A_335 = arith.index_cast %swap3A_334 : i32 to index
        %swap3A_336 = arith.index_cast %add3A_333 : i32 to index
        %swap3A_337 = tpu.vector_load %arg7[%swap3A_335, %swap3A_336] {strides = array<i32>} : memref<2x4096xf32, #tpu.memory_space<vmem>>, vector<16xf32>,
        tpu.vector_store %arg7[%swap3A_335, %swap3A_336], %gather3A_262 {strides = array<i32>} : memref<2x4096xf32, #tpu.memory_space<vmem>>, vector<16xf32>,
        %add3A_338 = arith.constant 192 : i32
        %add3A_339 = arith.addi %mul3A_188, %add3A_338 : i32
        %swap3A_340 = arith.constant 1 : i32
        %swap3A_341 = arith.index_cast %swap3A_340 : i32 to index
        %swap3A_342 = arith.index_cast %add3A_339 : i32 to index
        %swap3A_343 = tpu.vector_load %arg7[%swap3A_341, %swap3A_342] {strides = array<i32>} : memref<2x4096xf32, #tpu.memory_space<vmem>>, vector<16xf32>,
        tpu.vector_store %arg7[%swap3A_341, %swap3A_342], %gather3A_263 {strides = array<i32>} : memref<2x4096xf32, #tpu.memory_space<vmem>>, vector<16xf32>,
        %add3A_344 = arith.constant 208 : i32
        %add3A_345 = arith.addi %mul3A_188, %add3A_344 : i32
        %swap3A_346 = arith.constant 1 : i32
        %swap3A_347 = arith.index_cast %swap3A_346 : i32 to index
        %swap3A_348 = arith.index_cast %add3A_345 : i32 to index
        %swap3A_349 = tpu.vector_load %arg7[%swap3A_347, %swap3A_348] {strides = array<i32>} : memref<2x4096xf32, #tpu.memory_space<vmem>>, vector<16xf32>,
        tpu.vector_store %arg7[%swap3A_347, %swap3A_348], %gather3A_264 {strides = array<i32>} : memref<2x4096xf32, #tpu.memory_space<vmem>>, vector<16xf32>,
        %add3A_350 = arith.constant 224 : i32
        %add3A_351 = arith.addi %mul3A_188, %add3A_350 : i32
        %swap3A_352 = arith.constant 1 : i32
        %swap3A_353 = arith.index_cast %swap3A_352 : i32 to index
        %swap3A_354 = arith.index_cast %add3A_351 : i32 to index
        %swap3A_355 = tpu.vector_load %arg7[%swap3A_353, %swap3A_354] {strides = array<i32>} : memref<2x4096xf32, #tpu.memory_space<vmem>>, vector<16xf32>,
        tpu.vector_store %arg7[%swap3A_353, %swap3A_354], %gather3A_265 {strides = array<i32>} : memref<2x4096xf32, #tpu.memory_space<vmem>>, vector<16xf32>,
        %add3A_356 = arith.constant 240 : i32
        %add3A_357 = arith.addi %mul3A_188, %add3A_356 : i32
        %swap3A_358 = arith.constant 1 : i32
        %swap3A_359 = arith.index_cast %swap3A_358 : i32 to index
        %swap3A_360 = arith.index_cast %add3A_357 : i32 to index
        %swap3A_361 = tpu.vector_load %arg7[%swap3A_359, %swap3A_360] {strides = array<i32>} : memref<2x4096xf32, #tpu.memory_space<vmem>>, vector<16xf32>,
        tpu.vector_store %arg7[%swap3A_359, %swap3A_360], %gather3A_266 {strides = array<i32>} : memref<2x4096xf32, #tpu.memory_space<vmem>>, vector<16xf32>,
      }
      %scan3A_78 = arith.constant 16 : i32
      %dma_start3A_79 = arith.constant 1 : i32
      %dma_start3A_80 = arith.constant 0 : i32
      %dma_start3A_81 = tpu.memref_slice %arg7[%dma_start3A_79, %dma_start3A_80] : memref<2x4096xf32, #tpu.memory_space<vmem>> -> memref<1x4096xf32, #tpu.memory_space<vmem>>
      %dma_start3A_82 = tpu.memref_squeeze %dma_start3A_81 : memref<1x4096xf32, #tpu.memory_space<vmem>> -> memref<4096xf32, #tpu.memory_space<vmem>>
      %dma_start3A_83 = arith.constant 4096 : i32
      %dma_start3A_84 = tpu.memref_slice %arg4[%select_n3A, %select_n3A_41, %dma_start3A_83] : memref<26x32x16384xf32, #tpu.memory_space<hbm>> -> memref<1x1x4096xf32, #tpu.memory_space<hbm>>
      %dma_start3A_85 = tpu.memref_squeeze %dma_start3A_84 : memref<1x1x4096xf32, #tpu.memory_space<hbm>> -> memref<4096xf32, #tpu.memory_space<hbm>>
      %dma_start3A_86 = arith.constant 4096 : i32
      %dma_start3A_87 = tpu.memref_slice %arg4[%select_n3A, %select_n3A_41, %dma_start3A_86] : memref<26x32x16384xf32, #tpu.memory_space<hbm>> -> memref<1x1x4096xf32, #tpu.memory_space<hbm>>
      %dma_start3A_88 = tpu.memref_squeeze %dma_start3A_87 : memref<1x1x4096xf32, #tpu.memory_space<hbm>> -> memref<4096xf32, #tpu.memory_space<hbm>>
      %dma_start3A_89 = arith.constant 0 : i32
      %dma_start3A_90 = tpu.memref_slice %arg7[%dma_start3A_79, %dma_start3A_89] : memref<2x4096xf32, #tpu.memory_space<vmem>> -> memref<1x4096xf32, #tpu.memory_space<vmem>>
      %dma_start3A_91 = tpu.memref_squeeze %dma_start3A_90 : memref<1x4096xf32, #tpu.memory_space<vmem>> -> memref<4096xf32, #tpu.memory_space<vmem>>
      tpu.enqueue_dma source(%dma_start3A_91 : memref<4096xf32, #tpu.memory_space<vmem>>) target(%dma_start3A_88 : memref<4096xf32, #tpu.memory_space<hbm>>) target_semaphore(%arg10 : memref<!tpu.dma_semaphore, #tpu.memory_space<semaphore_mem>>)
      %dma_wait3A_92 = arith.constant 0 : i32
      %dma_wait3A_93 = arith.constant 0 : i32
      %dma_wait3A_94 = tpu.memref_slice %arg7[%dma_wait3A_92, %dma_wait3A_93] : memref<2x4096xf32, #tpu.memory_space<vmem>> -> memref<1x4096xf32, #tpu.memory_space<vmem>>
      %dma_wait3A_95 = tpu.memref_squeeze %dma_wait3A_94 : memref<1x4096xf32, #tpu.memory_space<vmem>> -> memref<4096xf32, #tpu.memory_space<vmem>>
      %dma_wait3A_96 = arith.constant 0 : i32
      %dma_wait3A_97 = tpu.memref_slice %arg4[%select_n3A, %select_n3A_41, %dma_wait3A_96] : memref<26x32x16384xf32, #tpu.memory_space<hbm>> -> memref<1x1x4096xf32, #tpu.memory_space<hbm>>
      %dma_wait3A_98 = tpu.memref_squeeze %dma_wait3A_97 : memref<1x1x4096xf32, #tpu.memory_space<hbm>> -> memref<4096xf32, #tpu.memory_space<hbm>>
      %dma_wait3A_99 = arith.constant 0 : i32
      %dma_wait3A_100 = tpu.memref_slice %arg4[%select_n3A, %select_n3A_41, %dma_wait3A_99] : memref<26x32x16384xf32, #tpu.memory_space<hbm>> -> memref<1x1x4096xf32, #tpu.memory_space<hbm>>
      %dma_wait3A_101 = tpu.memref_squeeze %dma_wait3A_100 : memref<1x1x4096xf32, #tpu.memory_space<hbm>> -> memref<4096xf32, #tpu.memory_space<hbm>>
      %dma_wait3A_102 = arith.constant 0 : i32
      %dma_wait3A_103 = tpu.memref_slice %arg7[%dma_wait3A_92, %dma_wait3A_102] : memref<2x4096xf32, #tpu.memory_space<vmem>> -> memref<1x4096xf32, #tpu.memory_space<vmem>>
      %dma_wait3A_104 = tpu.memref_squeeze %dma_wait3A_103 : memref<1x4096xf32, #tpu.memory_space<vmem>> -> memref<4096xf32, #tpu.memory_space<vmem>>
      tpu.wait_dma2 semaphore(%arg10 : memref<!tpu.dma_semaphore, #tpu.memory_space<semaphore_mem>>) src(%dma_wait3A_104 : memref<4096xf32, #tpu.memory_space<vmem>>) dst(%dma_wait3A_101 : memref<4096xf32, #tpu.memory_space<hbm>>)
      %scan3A_105 = arith.constant 0 : i32
      %scan3A_106 = arith.constant 0 : i32
      %scan3A_107 = arith.constant 16 : i32
      %scan3A_108 = arith.addi %scan3A_106, %scan3A_107 : i32
      %scan3A_109 = arith.constant 1 : i32
      scf.for %scan3A_182 = %scan3A_106 to %scan3A_108 step %scan3A_109  : i32 {
        %mul3A_183 = arith.constant 256 : i32
        %mul3A_184 = arith.muli %scan3A_182, %mul3A_183 : i32
        %add3A_185 = arith.constant 8192 : i32
        %add3A_186 = arith.addi %add3A_185, %mul3A_184 : i32
        %mul3A_187 = arith.constant 256 : i32
        %mul3A_188 = arith.muli %scan3A_182, %mul3A_187 : i32
        %add3A_189 = arith.constant 0 : i32
        %add3A_190 = arith.addi %add3A_186, %add3A_189 : i32
        %get3A = arith.index_cast %add3A_190 : i32 to index
        %get3A_191 = tpu.vector_load %arg6[%get3A] {strides = array<i32>} : memref<16384xi32, #tpu.memory_space<vmem>>, vector<16xi32>,
        %add3A_192 = arith.constant 16 : i32
        %add3A_193 = arith.addi %add3A_186, %add3A_192 : i32
        %get3A_194 = arith.index_cast %add3A_193 : i32 to index
        %get3A_195 = tpu.vector_load %arg6[%get3A_194] {strides = array<i32>} : memref<16384xi32, #tpu.memory_space<vmem>>, vector<16xi32>,
        %add3A_196 = arith.constant 32 : i32
        %add3A_197 = arith.addi %add3A_186, %add3A_196 : i32
        %get3A_198 = arith.index_cast %add3A_197 : i32 to index
        %get3A_199 = tpu.vector_load %arg6[%get3A_198] {strides = array<i32>} : memref<16384xi32, #tpu.memory_space<vmem>>, vector<16xi32>,
        %add3A_200 = arith.constant 48 : i32
        %add3A_201 = arith.addi %add3A_186, %add3A_200 : i32
        %get3A_202 = arith.index_cast %add3A_201 : i32 to index
        %get3A_203 = tpu.vector_load %arg6[%get3A_202] {strides = array<i32>} : memref<16384xi32, #tpu.memory_space<vmem>>, vector<16xi32>,
        %add3A_204 = arith.constant 64 : i32
        %add3A_205 = arith.addi %add3A_186, %add3A_204 : i32
        %get3A_206 = arith.index_cast %add3A_205 : i32 to index
        %get3A_207 = tpu.vector_load %arg6[%get3A_206] {strides = array<i32>} : memref<16384xi32, #tpu.memory_space<vmem>>, vector<16xi32>,
        %add3A_208 = arith.constant 80 : i32
        %add3A_209 = arith.addi %add3A_186, %add3A_208 : i32
        %get3A_210 = arith.index_cast %add3A_209 : i32 to index
        %get3A_211 = tpu.vector_load %arg6[%get3A_210] {strides = array<i32>} : memref<16384xi32, #tpu.memory_space<vmem>>, vector<16xi32>,
        %add3A_212 = arith.constant 96 : i32
        %add3A_213 = arith.addi %add3A_186, %add3A_212 : i32
        %get3A_214 = arith.index_cast %add3A_213 : i32 to index
        %get3A_215 = tpu.vector_load %arg6[%get3A_214] {strides = array<i32>} : memref<16384xi32, #tpu.memory_space<vmem>>, vector<16xi32>,
        %add3A_216 = arith.constant 112 : i32
        %add3A_217 = arith.addi %add3A_186, %add3A_216 : i32
        %get3A_218 = arith.index_cast %add3A_217 : i32 to index
        %get3A_219 = tpu.vector_load %arg6[%get3A_218] {strides = array<i32>} : memref<16384xi32, #tpu.memory_space<vmem>>, vector<16xi32>,
        %add3A_220 = arith.constant 128 : i32
        %add3A_221 = arith.addi %add3A_186, %add3A_220 : i32
        %get3A_222 = arith.index_cast %add3A_221 : i32 to index
        %get3A_223 = tpu.vector_load %arg6[%get3A_222] {strides = array<i32>} : memref<16384xi32, #tpu.memory_space<vmem>>, vector<16xi32>,
        %add3A_224 = arith.constant 144 : i32
        %add3A_225 = arith.addi %add3A_186, %add3A_224 : i32
        %get3A_226 = arith.index_cast %add3A_225 : i32 to index
        %get3A_227 = tpu.vector_load %arg6[%get3A_226] {strides = array<i32>} : memref<16384xi32, #tpu.memory_space<vmem>>, vector<16xi32>,
        %add3A_228 = arith.constant 160 : i32
        %add3A_229 = arith.addi %add3A_186, %add3A_228 : i32
        %get3A_230 = arith.index_cast %add3A_229 : i32 to index
        %get3A_231 = tpu.vector_load %arg6[%get3A_230] {strides = array<i32>} : memref<16384xi32, #tpu.memory_space<vmem>>, vector<16xi32>,
        %add3A_232 = arith.constant 176 : i32
        %add3A_233 = arith.addi %add3A_186, %add3A_232 : i32
        %get3A_234 = arith.index_cast %add3A_233 : i32 to index
        %get3A_235 = tpu.vector_load %arg6[%get3A_234] {strides = array<i32>} : memref<16384xi32, #tpu.memory_space<vmem>>, vector<16xi32>,
        %add3A_236 = arith.constant 192 : i32
        %add3A_237 = arith.addi %add3A_186, %add3A_236 : i32
        %get3A_238 = arith.index_cast %add3A_237 : i32 to index
        %get3A_239 = tpu.vector_load %arg6[%get3A_238] {strides = array<i32>} : memref<16384xi32, #tpu.memory_space<vmem>>, vector<16xi32>,
        %add3A_240 = arith.constant 208 : i32
        %add3A_241 = arith.addi %add3A_186, %add3A_240 : i32
        %get3A_242 = arith.index_cast %add3A_241 : i32 to index
        %get3A_243 = tpu.vector_load %arg6[%get3A_242] {strides = array<i32>} : memref<16384xi32, #tpu.memory_space<vmem>>, vector<16xi32>,
        %add3A_244 = arith.constant 224 : i32
        %add3A_245 = arith.addi %add3A_186, %add3A_244 : i32
        %get3A_246 = arith.index_cast %add3A_245 : i32 to index
        %get3A_247 = tpu.vector_load %arg6[%get3A_246] {strides = array<i32>} : memref<16384xi32, #tpu.memory_space<vmem>>, vector<16xi32>,
        %add3A_248 = arith.constant 240 : i32
        %add3A_249 = arith.addi %add3A_186, %add3A_248 : i32
        %get3A_250 = arith.index_cast %add3A_249 : i32 to index
        %get3A_251 = tpu.vector_load %arg6[%get3A_250] {strides = array<i32>} : memref<16384xi32, #tpu.memory_space<vmem>>, vector<16xi32>,
        %gather3A = tpu.vector_load_idx %arg5[%get3A_191] : memref<100000xf32, #tpu.memory_space<vmem>>[vector<16xi32>], vector<16xf32>,
        %gather3A_252 = tpu.vector_load_idx %arg5[%get3A_195] : memref<100000xf32, #tpu.memory_space<vmem>>[vector<16xi32>], vector<16xf32>,
        %gather3A_253 = tpu.vector_load_idx %arg5[%get3A_199] : memref<100000xf32, #tpu.memory_space<vmem>>[vector<16xi32>], vector<16xf32>,
        %gather3A_254 = tpu.vector_load_idx %arg5[%get3A_203] : memref<100000xf32, #tpu.memory_space<vmem>>[vector<16xi32>], vector<16xf32>,
        %gather3A_255 = tpu.vector_load_idx %arg5[%get3A_207] : memref<100000xf32, #tpu.memory_space<vmem>>[vector<16xi32>], vector<16xf32>,
        %gather3A_256 = tpu.vector_load_idx %arg5[%get3A_211] : memref<100000xf32, #tpu.memory_space<vmem>>[vector<16xi32>], vector<16xf32>,
        %gather3A_257 = tpu.vector_load_idx %arg5[%get3A_215] : memref<100000xf32, #tpu.memory_space<vmem>>[vector<16xi32>], vector<16xf32>,
        %gather3A_258 = tpu.vector_load_idx %arg5[%get3A_219] : memref<100000xf32, #tpu.memory_space<vmem>>[vector<16xi32>], vector<16xf32>,
        %gather3A_259 = tpu.vector_load_idx %arg5[%get3A_223] : memref<100000xf32, #tpu.memory_space<vmem>>[vector<16xi32>], vector<16xf32>,
        %gather3A_260 = tpu.vector_load_idx %arg5[%get3A_227] : memref<100000xf32, #tpu.memory_space<vmem>>[vector<16xi32>], vector<16xf32>,
        %gather3A_261 = tpu.vector_load_idx %arg5[%get3A_231] : memref<100000xf32, #tpu.memory_space<vmem>>[vector<16xi32>], vector<16xf32>,
        %gather3A_262 = tpu.vector_load_idx %arg5[%get3A_235] : memref<100000xf32, #tpu.memory_space<vmem>>[vector<16xi32>], vector<16xf32>,
        %gather3A_263 = tpu.vector_load_idx %arg5[%get3A_239] : memref<100000xf32, #tpu.memory_space<vmem>>[vector<16xi32>], vector<16xf32>,
        %gather3A_264 = tpu.vector_load_idx %arg5[%get3A_243] : memref<100000xf32, #tpu.memory_space<vmem>>[vector<16xi32>], vector<16xf32>,
        %gather3A_265 = tpu.vector_load_idx %arg5[%get3A_247] : memref<100000xf32, #tpu.memory_space<vmem>>[vector<16xi32>], vector<16xf32>,
        %gather3A_266 = tpu.vector_load_idx %arg5[%get3A_251] : memref<100000xf32, #tpu.memory_space<vmem>>[vector<16xi32>], vector<16xf32>,
        %add3A_267 = arith.constant 0 : i32
        %add3A_268 = arith.addi %mul3A_188, %add3A_267 : i32
        %swap3A = arith.constant 0 : i32
        %swap3A_269 = arith.index_cast %swap3A : i32 to index
        %swap3A_270 = arith.index_cast %add3A_268 : i32 to index
        %swap3A_271 = tpu.vector_load %arg7[%swap3A_269, %swap3A_270] {strides = array<i32>} : memref<2x4096xf32, #tpu.memory_space<vmem>>, vector<16xf32>,
        tpu.vector_store %arg7[%swap3A_269, %swap3A_270], %gather3A {strides = array<i32>} : memref<2x4096xf32, #tpu.memory_space<vmem>>, vector<16xf32>,
        %add3A_272 = arith.constant 16 : i32
        %add3A_273 = arith.addi %mul3A_188, %add3A_272 : i32
        %swap3A_274 = arith.constant 0 : i32
        %swap3A_275 = arith.index_cast %swap3A_274 : i32 to index
        %swap3A_276 = arith.index_cast %add3A_273 : i32 to index
        %swap3A_277 = tpu.vector_load %arg7[%swap3A_275, %swap3A_276] {strides = array<i32>} : memref<2x4096xf32, #tpu.memory_space<vmem>>, vector<16xf32>,
        tpu.vector_store %arg7[%swap3A_275, %swap3A_276], %gather3A_252 {strides = array<i32>} : memref<2x4096xf32, #tpu.memory_space<vmem>>, vector<16xf32>,
        %add3A_278 = arith.constant 32 : i32
        %add3A_279 = arith.addi %mul3A_188, %add3A_278 : i32
        %swap3A_280 = arith.constant 0 : i32
        %swap3A_281 = arith.index_cast %swap3A_280 : i32 to index
        %swap3A_282 = arith.index_cast %add3A_279 : i32 to index
        %swap3A_283 = tpu.vector_load %arg7[%swap3A_281, %swap3A_282] {strides = array<i32>} : memref<2x4096xf32, #tpu.memory_space<vmem>>, vector<16xf32>,
        tpu.vector_store %arg7[%swap3A_281, %swap3A_282], %gather3A_253 {strides = array<i32>} : memref<2x4096xf32, #tpu.memory_space<vmem>>, vector<16xf32>,
        %add3A_284 = arith.constant 48 : i32
        %add3A_285 = arith.addi %mul3A_188, %add3A_284 : i32
        %swap3A_286 = arith.constant 0 : i32
        %swap3A_287 = arith.index_cast %swap3A_286 : i32 to index
        %swap3A_288 = arith.index_cast %add3A_285 : i32 to index
        %swap3A_289 = tpu.vector_load %arg7[%swap3A_287, %swap3A_288] {strides = array<i32>} : memref<2x4096xf32, #tpu.memory_space<vmem>>, vector<16xf32>,
        tpu.vector_store %arg7[%swap3A_287, %swap3A_288], %gather3A_254 {strides = array<i32>} : memref<2x4096xf32, #tpu.memory_space<vmem>>, vector<16xf32>,
        %add3A_290 = arith.constant 64 : i32
        %add3A_291 = arith.addi %mul3A_188, %add3A_290 : i32
        %swap3A_292 = arith.constant 0 : i32
        %swap3A_293 = arith.index_cast %swap3A_292 : i32 to index
        %swap3A_294 = arith.index_cast %add3A_291 : i32 to index
        %swap3A_295 = tpu.vector_load %arg7[%swap3A_293, %swap3A_294] {strides = array<i32>} : memref<2x4096xf32, #tpu.memory_space<vmem>>, vector<16xf32>,
        tpu.vector_store %arg7[%swap3A_293, %swap3A_294], %gather3A_255 {strides = array<i32>} : memref<2x4096xf32, #tpu.memory_space<vmem>>, vector<16xf32>,
        %add3A_296 = arith.constant 80 : i32
        %add3A_297 = arith.addi %mul3A_188, %add3A_296 : i32
        %swap3A_298 = arith.constant 0 : i32
        %swap3A_299 = arith.index_cast %swap3A_298 : i32 to index
        %swap3A_300 = arith.index_cast %add3A_297 : i32 to index
        %swap3A_301 = tpu.vector_load %arg7[%swap3A_299, %swap3A_300] {strides = array<i32>} : memref<2x4096xf32, #tpu.memory_space<vmem>>, vector<16xf32>,
        tpu.vector_store %arg7[%swap3A_299, %swap3A_300], %gather3A_256 {strides = array<i32>} : memref<2x4096xf32, #tpu.memory_space<vmem>>, vector<16xf32>,
        %add3A_302 = arith.constant 96 : i32
        %add3A_303 = arith.addi %mul3A_188, %add3A_302 : i32
        %swap3A_304 = arith.constant 0 : i32
        %swap3A_305 = arith.index_cast %swap3A_304 : i32 to index
        %swap3A_306 = arith.index_cast %add3A_303 : i32 to index
        %swap3A_307 = tpu.vector_load %arg7[%swap3A_305, %swap3A_306] {strides = array<i32>} : memref<2x4096xf32, #tpu.memory_space<vmem>>, vector<16xf32>,
        tpu.vector_store %arg7[%swap3A_305, %swap3A_306], %gather3A_257 {strides = array<i32>} : memref<2x4096xf32, #tpu.memory_space<vmem>>, vector<16xf32>,
        %add3A_308 = arith.constant 112 : i32
        %add3A_309 = arith.addi %mul3A_188, %add3A_308 : i32
        %swap3A_310 = arith.constant 0 : i32
        %swap3A_311 = arith.index_cast %swap3A_310 : i32 to index
        %swap3A_312 = arith.index_cast %add3A_309 : i32 to index
        %swap3A_313 = tpu.vector_load %arg7[%swap3A_311, %swap3A_312] {strides = array<i32>} : memref<2x4096xf32, #tpu.memory_space<vmem>>, vector<16xf32>,
        tpu.vector_store %arg7[%swap3A_311, %swap3A_312], %gather3A_258 {strides = array<i32>} : memref<2x4096xf32, #tpu.memory_space<vmem>>, vector<16xf32>,
        %add3A_314 = arith.constant 128 : i32
        %add3A_315 = arith.addi %mul3A_188, %add3A_314 : i32
        %swap3A_316 = arith.constant 0 : i32
        %swap3A_317 = arith.index_cast %swap3A_316 : i32 to index
        %swap3A_318 = arith.index_cast %add3A_315 : i32 to index
        %swap3A_319 = tpu.vector_load %arg7[%swap3A_317, %swap3A_318] {strides = array<i32>} : memref<2x4096xf32, #tpu.memory_space<vmem>>, vector<16xf32>,
        tpu.vector_store %arg7[%swap3A_317, %swap3A_318], %gather3A_259 {strides = array<i32>} : memref<2x4096xf32, #tpu.memory_space<vmem>>, vector<16xf32>,
        %add3A_320 = arith.constant 144 : i32
        %add3A_321 = arith.addi %mul3A_188, %add3A_320 : i32
        %swap3A_322 = arith.constant 0 : i32
        %swap3A_323 = arith.index_cast %swap3A_322 : i32 to index
        %swap3A_324 = arith.index_cast %add3A_321 : i32 to index
        %swap3A_325 = tpu.vector_load %arg7[%swap3A_323, %swap3A_324] {strides = array<i32>} : memref<2x4096xf32, #tpu.memory_space<vmem>>, vector<16xf32>,
        tpu.vector_store %arg7[%swap3A_323, %swap3A_324], %gather3A_260 {strides = array<i32>} : memref<2x4096xf32, #tpu.memory_space<vmem>>, vector<16xf32>,
        %add3A_326 = arith.constant 160 : i32
        %add3A_327 = arith.addi %mul3A_188, %add3A_326 : i32
        %swap3A_328 = arith.constant 0 : i32
        %swap3A_329 = arith.index_cast %swap3A_328 : i32 to index
        %swap3A_330 = arith.index_cast %add3A_327 : i32 to index
        %swap3A_331 = tpu.vector_load %arg7[%swap3A_329, %swap3A_330] {strides = array<i32>} : memref<2x4096xf32, #tpu.memory_space<vmem>>, vector<16xf32>,
        tpu.vector_store %arg7[%swap3A_329, %swap3A_330], %gather3A_261 {strides = array<i32>} : memref<2x4096xf32, #tpu.memory_space<vmem>>, vector<16xf32>,
        %add3A_332 = arith.constant 176 : i32
        %add3A_333 = arith.addi %mul3A_188, %add3A_332 : i32
        %swap3A_334 = arith.constant 0 : i32
        %swap3A_335 = arith.index_cast %swap3A_334 : i32 to index
        %swap3A_336 = arith.index_cast %add3A_333 : i32 to index
        %swap3A_337 = tpu.vector_load %arg7[%swap3A_335, %swap3A_336] {strides = array<i32>} : memref<2x4096xf32, #tpu.memory_space<vmem>>, vector<16xf32>,
        tpu.vector_store %arg7[%swap3A_335, %swap3A_336], %gather3A_262 {strides = array<i32>} : memref<2x4096xf32, #tpu.memory_space<vmem>>, vector<16xf32>,
        %add3A_338 = arith.constant 192 : i32
        %add3A_339 = arith.addi %mul3A_188, %add3A_338 : i32
        %swap3A_340 = arith.constant 0 : i32
        %swap3A_341 = arith.index_cast %swap3A_340 : i32 to index
        %swap3A_342 = arith.index_cast %add3A_339 : i32 to index
        %swap3A_343 = tpu.vector_load %arg7[%swap3A_341, %swap3A_342] {strides = array<i32>} : memref<2x4096xf32, #tpu.memory_space<vmem>>, vector<16xf32>,
        tpu.vector_store %arg7[%swap3A_341, %swap3A_342], %gather3A_263 {strides = array<i32>} : memref<2x4096xf32, #tpu.memory_space<vmem>>, vector<16xf32>,
        %add3A_344 = arith.constant 208 : i32
        %add3A_345 = arith.addi %mul3A_188, %add3A_344 : i32
        %swap3A_346 = arith.constant 0 : i32
        %swap3A_347 = arith.index_cast %swap3A_346 : i32 to index
        %swap3A_348 = arith.index_cast %add3A_345 : i32 to index
        %swap3A_349 = tpu.vector_load %arg7[%swap3A_347, %swap3A_348] {strides = array<i32>} : memref<2x4096xf32, #tpu.memory_space<vmem>>, vector<16xf32>,
        tpu.vector_store %arg7[%swap3A_347, %swap3A_348], %gather3A_264 {strides = array<i32>} : memref<2x4096xf32, #tpu.memory_space<vmem>>, vector<16xf32>,
        %add3A_350 = arith.constant 224 : i32
        %add3A_351 = arith.addi %mul3A_188, %add3A_350 : i32
        %swap3A_352 = arith.constant 0 : i32
        %swap3A_353 = arith.index_cast %swap3A_352 : i32 to index
        %swap3A_354 = arith.index_cast %add3A_351 : i32 to index
        %swap3A_355 = tpu.vector_load %arg7[%swap3A_353, %swap3A_354] {strides = array<i32>} : memref<2x4096xf32, #tpu.memory_space<vmem>>, vector<16xf32>,
        tpu.vector_store %arg7[%swap3A_353, %swap3A_354], %gather3A_265 {strides = array<i32>} : memref<2x4096xf32, #tpu.memory_space<vmem>>, vector<16xf32>,
        %add3A_356 = arith.constant 240 : i32
        %add3A_357 = arith.addi %mul3A_188, %add3A_356 : i32
        %swap3A_358 = arith.constant 0 : i32
        %swap3A_359 = arith.index_cast %swap3A_358 : i32 to index
        %swap3A_360 = arith.index_cast %add3A_357 : i32 to index
        %swap3A_361 = tpu.vector_load %arg7[%swap3A_359, %swap3A_360] {strides = array<i32>} : memref<2x4096xf32, #tpu.memory_space<vmem>>, vector<16xf32>,
        tpu.vector_store %arg7[%swap3A_359, %swap3A_360], %gather3A_266 {strides = array<i32>} : memref<2x4096xf32, #tpu.memory_space<vmem>>, vector<16xf32>,
      }
      %scan3A_110 = arith.constant 16 : i32
      %dma_start3A_111 = arith.constant 0 : i32
      %dma_start3A_112 = arith.constant 0 : i32
      %dma_start3A_113 = tpu.memref_slice %arg7[%dma_start3A_111, %dma_start3A_112] : memref<2x4096xf32, #tpu.memory_space<vmem>> -> memref<1x4096xf32, #tpu.memory_space<vmem>>
      %dma_start3A_114 = tpu.memref_squeeze %dma_start3A_113 : memref<1x4096xf32, #tpu.memory_space<vmem>> -> memref<4096xf32, #tpu.memory_space<vmem>>
      %dma_start3A_115 = arith.constant 8192 : i32
      %dma_start3A_116 = tpu.memref_slice %arg4[%select_n3A, %select_n3A_41, %dma_start3A_115] : memref<26x32x16384xf32, #tpu.memory_space<hbm>> -> memref<1x1x4096xf32, #tpu.memory_space<hbm>>
      %dma_start3A_117 = tpu.memref_squeeze %dma_start3A_116 : memref<1x1x4096xf32, #tpu.memory_space<hbm>> -> memref<4096xf32, #tpu.memory_space<hbm>>
      %dma_start3A_118 = arith.constant 8192 : i32
      %dma_start3A_119 = tpu.memref_slice %arg4[%select_n3A, %select_n3A_41, %dma_start3A_118] : memref<26x32x16384xf32, #tpu.memory_space<hbm>> -> memref<1x1x4096xf32, #tpu.memory_space<hbm>>
      %dma_start3A_120 = tpu.memref_squeeze %dma_start3A_119 : memref<1x1x4096xf32, #tpu.memory_space<hbm>> -> memref<4096xf32, #tpu.memory_space<hbm>>
      %dma_start3A_121 = arith.constant 0 : i32
      %dma_start3A_122 = tpu.memref_slice %arg7[%dma_start3A_111, %dma_start3A_121] : memref<2x4096xf32, #tpu.memory_space<vmem>> -> memref<1x4096xf32, #tpu.memory_space<vmem>>
      %dma_start3A_123 = tpu.memref_squeeze %dma_start3A_122 : memref<1x4096xf32, #tpu.memory_space<vmem>> -> memref<4096xf32, #tpu.memory_space<vmem>>
      tpu.enqueue_dma source(%dma_start3A_123 : memref<4096xf32, #tpu.memory_space<vmem>>) target(%dma_start3A_120 : memref<4096xf32, #tpu.memory_space<hbm>>) target_semaphore(%arg10 : memref<!tpu.dma_semaphore, #tpu.memory_space<semaphore_mem>>)
      %dma_wait3A_124 = arith.constant 1 : i32
      %dma_wait3A_125 = arith.constant 0 : i32
      %dma_wait3A_126 = tpu.memref_slice %arg7[%dma_wait3A_124, %dma_wait3A_125] : memref<2x4096xf32, #tpu.memory_space<vmem>> -> memref<1x4096xf32, #tpu.memory_space<vmem>>
      %dma_wait3A_127 = tpu.memref_squeeze %dma_wait3A_126 : memref<1x4096xf32, #tpu.memory_space<vmem>> -> memref<4096xf32, #tpu.memory_space<vmem>>
      %dma_wait3A_128 = arith.constant 4096 : i32
      %dma_wait3A_129 = tpu.memref_slice %arg4[%select_n3A, %select_n3A_41, %dma_wait3A_128] : memref<26x32x16384xf32, #tpu.memory_space<hbm>> -> memref<1x1x4096xf32, #tpu.memory_space<hbm>>
      %dma_wait3A_130 = tpu.memref_squeeze %dma_wait3A_129 : memref<1x1x4096xf32, #tpu.memory_space<hbm>> -> memref<4096xf32, #tpu.memory_space<hbm>>
      %dma_wait3A_131 = arith.constant 4096 : i32
      %dma_wait3A_132 = tpu.memref_slice %arg4[%select_n3A, %select_n3A_41, %dma_wait3A_131] : memref<26x32x16384xf32, #tpu.memory_space<hbm>> -> memref<1x1x4096xf32, #tpu.memory_space<hbm>>
      %dma_wait3A_133 = tpu.memref_squeeze %dma_wait3A_132 : memref<1x1x4096xf32, #tpu.memory_space<hbm>> -> memref<4096xf32, #tpu.memory_space<hbm>>
      %dma_wait3A_134 = arith.constant 0 : i32
      %dma_wait3A_135 = tpu.memref_slice %arg7[%dma_wait3A_124, %dma_wait3A_134] : memref<2x4096xf32, #tpu.memory_space<vmem>> -> memref<1x4096xf32, #tpu.memory_space<vmem>>
      %dma_wait3A_136 = tpu.memref_squeeze %dma_wait3A_135 : memref<1x4096xf32, #tpu.memory_space<vmem>> -> memref<4096xf32, #tpu.memory_space<vmem>>
      tpu.wait_dma2 semaphore(%arg10 : memref<!tpu.dma_semaphore, #tpu.memory_space<semaphore_mem>>) src(%dma_wait3A_136 : memref<4096xf32, #tpu.memory_space<vmem>>) dst(%dma_wait3A_133 : memref<4096xf32, #tpu.memory_space<hbm>>)
      %scan3A_137 = arith.constant 0 : i32
      %scan3A_138 = arith.constant 0 : i32
      %scan3A_139 = arith.constant 16 : i32
      %scan3A_140 = arith.addi %scan3A_138, %scan3A_139 : i32
      %scan3A_141 = arith.constant 1 : i32
      scf.for %scan3A_182 = %scan3A_138 to %scan3A_140 step %scan3A_141  : i32 {
        %mul3A_183 = arith.constant 256 : i32
        %mul3A_184 = arith.muli %scan3A_182, %mul3A_183 : i32
        %add3A_185 = arith.constant 12288 : i32
        %add3A_186 = arith.addi %add3A_185, %mul3A_184 : i32
        %mul3A_187 = arith.constant 256 : i32
        %mul3A_188 = arith.muli %scan3A_182, %mul3A_187 : i32
        %add3A_189 = arith.constant 0 : i32
        %add3A_190 = arith.addi %add3A_186, %add3A_189 : i32
        %get3A = arith.index_cast %add3A_190 : i32 to index
        %get3A_191 = tpu.vector_load %arg6[%get3A] {strides = array<i32>} : memref<16384xi32, #tpu.memory_space<vmem>>, vector<16xi32>,
        %add3A_192 = arith.constant 16 : i32
        %add3A_193 = arith.addi %add3A_186, %add3A_192 : i32
        %get3A_194 = arith.index_cast %add3A_193 : i32 to index
        %get3A_195 = tpu.vector_load %arg6[%get3A_194] {strides = array<i32>} : memref<16384xi32, #tpu.memory_space<vmem>>, vector<16xi32>,
        %add3A_196 = arith.constant 32 : i32
        %add3A_197 = arith.addi %add3A_186, %add3A_196 : i32
        %get3A_198 = arith.index_cast %add3A_197 : i32 to index
        %get3A_199 = tpu.vector_load %arg6[%get3A_198] {strides = array<i32>} : memref<16384xi32, #tpu.memory_space<vmem>>, vector<16xi32>,
        %add3A_200 = arith.constant 48 : i32
        %add3A_201 = arith.addi %add3A_186, %add3A_200 : i32
        %get3A_202 = arith.index_cast %add3A_201 : i32 to index
        %get3A_203 = tpu.vector_load %arg6[%get3A_202] {strides = array<i32>} : memref<16384xi32, #tpu.memory_space<vmem>>, vector<16xi32>,
        %add3A_204 = arith.constant 64 : i32
        %add3A_205 = arith.addi %add3A_186, %add3A_204 : i32
        %get3A_206 = arith.index_cast %add3A_205 : i32 to index
        %get3A_207 = tpu.vector_load %arg6[%get3A_206] {strides = array<i32>} : memref<16384xi32, #tpu.memory_space<vmem>>, vector<16xi32>,
        %add3A_208 = arith.constant 80 : i32
        %add3A_209 = arith.addi %add3A_186, %add3A_208 : i32
        %get3A_210 = arith.index_cast %add3A_209 : i32 to index
        %get3A_211 = tpu.vector_load %arg6[%get3A_210] {strides = array<i32>} : memref<16384xi32, #tpu.memory_space<vmem>>, vector<16xi32>,
        %add3A_212 = arith.constant 96 : i32
        %add3A_213 = arith.addi %add3A_186, %add3A_212 : i32
        %get3A_214 = arith.index_cast %add3A_213 : i32 to index
        %get3A_215 = tpu.vector_load %arg6[%get3A_214] {strides = array<i32>} : memref<16384xi32, #tpu.memory_space<vmem>>, vector<16xi32>,
        %add3A_216 = arith.constant 112 : i32
        %add3A_217 = arith.addi %add3A_186, %add3A_216 : i32
        %get3A_218 = arith.index_cast %add3A_217 : i32 to index
        %get3A_219 = tpu.vector_load %arg6[%get3A_218] {strides = array<i32>} : memref<16384xi32, #tpu.memory_space<vmem>>, vector<16xi32>,
        %add3A_220 = arith.constant 128 : i32
        %add3A_221 = arith.addi %add3A_186, %add3A_220 : i32
        %get3A_222 = arith.index_cast %add3A_221 : i32 to index
        %get3A_223 = tpu.vector_load %arg6[%get3A_222] {strides = array<i32>} : memref<16384xi32, #tpu.memory_space<vmem>>, vector<16xi32>,
        %add3A_224 = arith.constant 144 : i32
        %add3A_225 = arith.addi %add3A_186, %add3A_224 : i32
        %get3A_226 = arith.index_cast %add3A_225 : i32 to index
        %get3A_227 = tpu.vector_load %arg6[%get3A_226] {strides = array<i32>} : memref<16384xi32, #tpu.memory_space<vmem>>, vector<16xi32>,
        %add3A_228 = arith.constant 160 : i32
        %add3A_229 = arith.addi %add3A_186, %add3A_228 : i32
        %get3A_230 = arith.index_cast %add3A_229 : i32 to index
        %get3A_231 = tpu.vector_load %arg6[%get3A_230] {strides = array<i32>} : memref<16384xi32, #tpu.memory_space<vmem>>, vector<16xi32>,
        %add3A_232 = arith.constant 176 : i32
        %add3A_233 = arith.addi %add3A_186, %add3A_232 : i32
        %get3A_234 = arith.index_cast %add3A_233 : i32 to index
        %get3A_235 = tpu.vector_load %arg6[%get3A_234] {strides = array<i32>} : memref<16384xi32, #tpu.memory_space<vmem>>, vector<16xi32>,
        %add3A_236 = arith.constant 192 : i32
        %add3A_237 = arith.addi %add3A_186, %add3A_236 : i32
        %get3A_238 = arith.index_cast %add3A_237 : i32 to index
        %get3A_239 = tpu.vector_load %arg6[%get3A_238] {strides = array<i32>} : memref<16384xi32, #tpu.memory_space<vmem>>, vector<16xi32>,
        %add3A_240 = arith.constant 208 : i32
        %add3A_241 = arith.addi %add3A_186, %add3A_240 : i32
        %get3A_242 = arith.index_cast %add3A_241 : i32 to index
        %get3A_243 = tpu.vector_load %arg6[%get3A_242] {strides = array<i32>} : memref<16384xi32, #tpu.memory_space<vmem>>, vector<16xi32>,
        %add3A_244 = arith.constant 224 : i32
        %add3A_245 = arith.addi %add3A_186, %add3A_244 : i32
        %get3A_246 = arith.index_cast %add3A_245 : i32 to index
        %get3A_247 = tpu.vector_load %arg6[%get3A_246] {strides = array<i32>} : memref<16384xi32, #tpu.memory_space<vmem>>, vector<16xi32>,
        %add3A_248 = arith.constant 240 : i32
        %add3A_249 = arith.addi %add3A_186, %add3A_248 : i32
        %get3A_250 = arith.index_cast %add3A_249 : i32 to index
        %get3A_251 = tpu.vector_load %arg6[%get3A_250] {strides = array<i32>} : memref<16384xi32, #tpu.memory_space<vmem>>, vector<16xi32>,
        %gather3A = tpu.vector_load_idx %arg5[%get3A_191] : memref<100000xf32, #tpu.memory_space<vmem>>[vector<16xi32>], vector<16xf32>,
        %gather3A_252 = tpu.vector_load_idx %arg5[%get3A_195] : memref<100000xf32, #tpu.memory_space<vmem>>[vector<16xi32>], vector<16xf32>,
        %gather3A_253 = tpu.vector_load_idx %arg5[%get3A_199] : memref<100000xf32, #tpu.memory_space<vmem>>[vector<16xi32>], vector<16xf32>,
        %gather3A_254 = tpu.vector_load_idx %arg5[%get3A_203] : memref<100000xf32, #tpu.memory_space<vmem>>[vector<16xi32>], vector<16xf32>,
        %gather3A_255 = tpu.vector_load_idx %arg5[%get3A_207] : memref<100000xf32, #tpu.memory_space<vmem>>[vector<16xi32>], vector<16xf32>,
        %gather3A_256 = tpu.vector_load_idx %arg5[%get3A_211] : memref<100000xf32, #tpu.memory_space<vmem>>[vector<16xi32>], vector<16xf32>,
        %gather3A_257 = tpu.vector_load_idx %arg5[%get3A_215] : memref<100000xf32, #tpu.memory_space<vmem>>[vector<16xi32>], vector<16xf32>,
        %gather3A_258 = tpu.vector_load_idx %arg5[%get3A_219] : memref<100000xf32, #tpu.memory_space<vmem>>[vector<16xi32>], vector<16xf32>,
        %gather3A_259 = tpu.vector_load_idx %arg5[%get3A_223] : memref<100000xf32, #tpu.memory_space<vmem>>[vector<16xi32>], vector<16xf32>,
        %gather3A_260 = tpu.vector_load_idx %arg5[%get3A_227] : memref<100000xf32, #tpu.memory_space<vmem>>[vector<16xi32>], vector<16xf32>,
        %gather3A_261 = tpu.vector_load_idx %arg5[%get3A_231] : memref<100000xf32, #tpu.memory_space<vmem>>[vector<16xi32>], vector<16xf32>,
        %gather3A_262 = tpu.vector_load_idx %arg5[%get3A_235] : memref<100000xf32, #tpu.memory_space<vmem>>[vector<16xi32>], vector<16xf32>,
        %gather3A_263 = tpu.vector_load_idx %arg5[%get3A_239] : memref<100000xf32, #tpu.memory_space<vmem>>[vector<16xi32>], vector<16xf32>,
        %gather3A_264 = tpu.vector_load_idx %arg5[%get3A_243] : memref<100000xf32, #tpu.memory_space<vmem>>[vector<16xi32>], vector<16xf32>,
        %gather3A_265 = tpu.vector_load_idx %arg5[%get3A_247] : memref<100000xf32, #tpu.memory_space<vmem>>[vector<16xi32>], vector<16xf32>,
        %gather3A_266 = tpu.vector_load_idx %arg5[%get3A_251] : memref<100000xf32, #tpu.memory_space<vmem>>[vector<16xi32>], vector<16xf32>,
        %add3A_267 = arith.constant 0 : i32
        %add3A_268 = arith.addi %mul3A_188, %add3A_267 : i32
        %swap3A = arith.constant 1 : i32
        %swap3A_269 = arith.index_cast %swap3A : i32 to index
        %swap3A_270 = arith.index_cast %add3A_268 : i32 to index
        %swap3A_271 = tpu.vector_load %arg7[%swap3A_269, %swap3A_270] {strides = array<i32>} : memref<2x4096xf32, #tpu.memory_space<vmem>>, vector<16xf32>,
        tpu.vector_store %arg7[%swap3A_269, %swap3A_270], %gather3A {strides = array<i32>} : memref<2x4096xf32, #tpu.memory_space<vmem>>, vector<16xf32>,
        %add3A_272 = arith.constant 16 : i32
        %add3A_273 = arith.addi %mul3A_188, %add3A_272 : i32
        %swap3A_274 = arith.constant 1 : i32
        %swap3A_275 = arith.index_cast %swap3A_274 : i32 to index
        %swap3A_276 = arith.index_cast %add3A_273 : i32 to index
        %swap3A_277 = tpu.vector_load %arg7[%swap3A_275, %swap3A_276] {strides = array<i32>} : memref<2x4096xf32, #tpu.memory_space<vmem>>, vector<16xf32>,
        tpu.vector_store %arg7[%swap3A_275, %swap3A_276], %gather3A_252 {strides = array<i32>} : memref<2x4096xf32, #tpu.memory_space<vmem>>, vector<16xf32>,
        %add3A_278 = arith.constant 32 : i32
        %add3A_279 = arith.addi %mul3A_188, %add3A_278 : i32
        %swap3A_280 = arith.constant 1 : i32
        %swap3A_281 = arith.index_cast %swap3A_280 : i32 to index
        %swap3A_282 = arith.index_cast %add3A_279 : i32 to index
        %swap3A_283 = tpu.vector_load %arg7[%swap3A_281, %swap3A_282] {strides = array<i32>} : memref<2x4096xf32, #tpu.memory_space<vmem>>, vector<16xf32>,
        tpu.vector_store %arg7[%swap3A_281, %swap3A_282], %gather3A_253 {strides = array<i32>} : memref<2x4096xf32, #tpu.memory_space<vmem>>, vector<16xf32>,
        %add3A_284 = arith.constant 48 : i32
        %add3A_285 = arith.addi %mul3A_188, %add3A_284 : i32
        %swap3A_286 = arith.constant 1 : i32
        %swap3A_287 = arith.index_cast %swap3A_286 : i32 to index
        %swap3A_288 = arith.index_cast %add3A_285 : i32 to index
        %swap3A_289 = tpu.vector_load %arg7[%swap3A_287, %swap3A_288] {strides = array<i32>} : memref<2x4096xf32, #tpu.memory_space<vmem>>, vector<16xf32>,
        tpu.vector_store %arg7[%swap3A_287, %swap3A_288], %gather3A_254 {strides = array<i32>} : memref<2x4096xf32, #tpu.memory_space<vmem>>, vector<16xf32>,
        %add3A_290 = arith.constant 64 : i32
        %add3A_291 = arith.addi %mul3A_188, %add3A_290 : i32
        %swap3A_292 = arith.constant 1 : i32
        %swap3A_293 = arith.index_cast %swap3A_292 : i32 to index
        %swap3A_294 = arith.index_cast %add3A_291 : i32 to index
        %swap3A_295 = tpu.vector_load %arg7[%swap3A_293, %swap3A_294] {strides = array<i32>} : memref<2x4096xf32, #tpu.memory_space<vmem>>, vector<16xf32>,
        tpu.vector_store %arg7[%swap3A_293, %swap3A_294], %gather3A_255 {strides = array<i32>} : memref<2x4096xf32, #tpu.memory_space<vmem>>, vector<16xf32>,
        %add3A_296 = arith.constant 80 : i32
        %add3A_297 = arith.addi %mul3A_188, %add3A_296 : i32
        %swap3A_298 = arith.constant 1 : i32
        %swap3A_299 = arith.index_cast %swap3A_298 : i32 to index
        %swap3A_300 = arith.index_cast %add3A_297 : i32 to index
        %swap3A_301 = tpu.vector_load %arg7[%swap3A_299, %swap3A_300] {strides = array<i32>} : memref<2x4096xf32, #tpu.memory_space<vmem>>, vector<16xf32>,
        tpu.vector_store %arg7[%swap3A_299, %swap3A_300], %gather3A_256 {strides = array<i32>} : memref<2x4096xf32, #tpu.memory_space<vmem>>, vector<16xf32>,
        %add3A_302 = arith.constant 96 : i32
        %add3A_303 = arith.addi %mul3A_188, %add3A_302 : i32
        %swap3A_304 = arith.constant 1 : i32
        %swap3A_305 = arith.index_cast %swap3A_304 : i32 to index
        %swap3A_306 = arith.index_cast %add3A_303 : i32 to index
        %swap3A_307 = tpu.vector_load %arg7[%swap3A_305, %swap3A_306] {strides = array<i32>} : memref<2x4096xf32, #tpu.memory_space<vmem>>, vector<16xf32>,
        tpu.vector_store %arg7[%swap3A_305, %swap3A_306], %gather3A_257 {strides = array<i32>} : memref<2x4096xf32, #tpu.memory_space<vmem>>, vector<16xf32>,
        %add3A_308 = arith.constant 112 : i32
        %add3A_309 = arith.addi %mul3A_188, %add3A_308 : i32
        %swap3A_310 = arith.constant 1 : i32
        %swap3A_311 = arith.index_cast %swap3A_310 : i32 to index
        %swap3A_312 = arith.index_cast %add3A_309 : i32 to index
        %swap3A_313 = tpu.vector_load %arg7[%swap3A_311, %swap3A_312] {strides = array<i32>} : memref<2x4096xf32, #tpu.memory_space<vmem>>, vector<16xf32>,
        tpu.vector_store %arg7[%swap3A_311, %swap3A_312], %gather3A_258 {strides = array<i32>} : memref<2x4096xf32, #tpu.memory_space<vmem>>, vector<16xf32>,
        %add3A_314 = arith.constant 128 : i32
        %add3A_315 = arith.addi %mul3A_188, %add3A_314 : i32
        %swap3A_316 = arith.constant 1 : i32
        %swap3A_317 = arith.index_cast %swap3A_316 : i32 to index
        %swap3A_318 = arith.index_cast %add3A_315 : i32 to index
        %swap3A_319 = tpu.vector_load %arg7[%swap3A_317, %swap3A_318] {strides = array<i32>} : memref<2x4096xf32, #tpu.memory_space<vmem>>, vector<16xf32>,
        tpu.vector_store %arg7[%swap3A_317, %swap3A_318], %gather3A_259 {strides = array<i32>} : memref<2x4096xf32, #tpu.memory_space<vmem>>, vector<16xf32>,
        %add3A_320 = arith.constant 144 : i32
        %add3A_321 = arith.addi %mul3A_188, %add3A_320 : i32
        %swap3A_322 = arith.constant 1 : i32
        %swap3A_323 = arith.index_cast %swap3A_322 : i32 to index
        %swap3A_324 = arith.index_cast %add3A_321 : i32 to index
        %swap3A_325 = tpu.vector_load %arg7[%swap3A_323, %swap3A_324] {strides = array<i32>} : memref<2x4096xf32, #tpu.memory_space<vmem>>, vector<16xf32>,
        tpu.vector_store %arg7[%swap3A_323, %swap3A_324], %gather3A_260 {strides = array<i32>} : memref<2x4096xf32, #tpu.memory_space<vmem>>, vector<16xf32>,
        %add3A_326 = arith.constant 160 : i32
        %add3A_327 = arith.addi %mul3A_188, %add3A_326 : i32
        %swap3A_328 = arith.constant 1 : i32
        %swap3A_329 = arith.index_cast %swap3A_328 : i32 to index
        %swap3A_330 = arith.index_cast %add3A_327 : i32 to index
        %swap3A_331 = tpu.vector_load %arg7[%swap3A_329, %swap3A_330] {strides = array<i32>} : memref<2x4096xf32, #tpu.memory_space<vmem>>, vector<16xf32>,
        tpu.vector_store %arg7[%swap3A_329, %swap3A_330], %gather3A_261 {strides = array<i32>} : memref<2x4096xf32, #tpu.memory_space<vmem>>, vector<16xf32>,
        %add3A_332 = arith.constant 176 : i32
        %add3A_333 = arith.addi %mul3A_188, %add3A_332 : i32
        %swap3A_334 = arith.constant 1 : i32
        %swap3A_335 = arith.index_cast %swap3A_334 : i32 to index
        %swap3A_336 = arith.index_cast %add3A_333 : i32 to index
        %swap3A_337 = tpu.vector_load %arg7[%swap3A_335, %swap3A_336] {strides = array<i32>} : memref<2x4096xf32, #tpu.memory_space<vmem>>, vector<16xf32>,
        tpu.vector_store %arg7[%swap3A_335, %swap3A_336], %gather3A_262 {strides = array<i32>} : memref<2x4096xf32, #tpu.memory_space<vmem>>, vector<16xf32>,
        %add3A_338 = arith.constant 192 : i32
        %add3A_339 = arith.addi %mul3A_188, %add3A_338 : i32
        %swap3A_340 = arith.constant 1 : i32
        %swap3A_341 = arith.index_cast %swap3A_340 : i32 to index
        %swap3A_342 = arith.index_cast %add3A_339 : i32 to index
        %swap3A_343 = tpu.vector_load %arg7[%swap3A_341, %swap3A_342] {strides = array<i32>} : memref<2x4096xf32, #tpu.memory_space<vmem>>, vector<16xf32>,
        tpu.vector_store %arg7[%swap3A_341, %swap3A_342], %gather3A_263 {strides = array<i32>} : memref<2x4096xf32, #tpu.memory_space<vmem>>, vector<16xf32>,
        %add3A_344 = arith.constant 208 : i32
        %add3A_345 = arith.addi %mul3A_188, %add3A_344 : i32
        %swap3A_346 = arith.constant 1 : i32
        %swap3A_347 = arith.index_cast %swap3A_346 : i32 to index
        %swap3A_348 = arith.index_cast %add3A_345 : i32 to index
        %swap3A_349 = tpu.vector_load %arg7[%swap3A_347, %swap3A_348] {strides = array<i32>} : memref<2x4096xf32, #tpu.memory_space<vmem>>, vector<16xf32>,
        tpu.vector_store %arg7[%swap3A_347, %swap3A_348], %gather3A_264 {strides = array<i32>} : memref<2x4096xf32, #tpu.memory_space<vmem>>, vector<16xf32>,
        %add3A_350 = arith.constant 224 : i32
        %add3A_351 = arith.addi %mul3A_188, %add3A_350 : i32
        %swap3A_352 = arith.constant 1 : i32
        %swap3A_353 = arith.index_cast %swap3A_352 : i32 to index
        %swap3A_354 = arith.index_cast %add3A_351 : i32 to index
        %swap3A_355 = tpu.vector_load %arg7[%swap3A_353, %swap3A_354] {strides = array<i32>} : memref<2x4096xf32, #tpu.memory_space<vmem>>, vector<16xf32>,
        tpu.vector_store %arg7[%swap3A_353, %swap3A_354], %gather3A_265 {strides = array<i32>} : memref<2x4096xf32, #tpu.memory_space<vmem>>, vector<16xf32>,
        %add3A_356 = arith.constant 240 : i32
        %add3A_357 = arith.addi %mul3A_188, %add3A_356 : i32
        %swap3A_358 = arith.constant 1 : i32
        %swap3A_359 = arith.index_cast %swap3A_358 : i32 to index
        %swap3A_360 = arith.index_cast %add3A_357 : i32 to index
        %swap3A_361 = tpu.vector_load %arg7[%swap3A_359, %swap3A_360] {strides = array<i32>} : memref<2x4096xf32, #tpu.memory_space<vmem>>, vector<16xf32>,
        tpu.vector_store %arg7[%swap3A_359, %swap3A_360], %gather3A_266 {strides = array<i32>} : memref<2x4096xf32, #tpu.memory_space<vmem>>, vector<16xf32>,
      }
      %scan3A_142 = arith.constant 16 : i32
      %dma_start3A_143 = arith.constant 1 : i32
      %dma_start3A_144 = arith.constant 0 : i32
      %dma_start3A_145 = tpu.memref_slice %arg7[%dma_start3A_143, %dma_start3A_144] : memref<2x4096xf32, #tpu.memory_space<vmem>> -> memref<1x4096xf32, #tpu.memory_space<vmem>>
      %dma_start3A_146 = tpu.memref_squeeze %dma_start3A_145 : memref<1x4096xf32, #tpu.memory_space<vmem>> -> memref<4096xf32, #tpu.memory_space<vmem>>
      %dma_start3A_147 = arith.constant 12288 : i32
      %dma_start3A_148 = tpu.memref_slice %arg4[%select_n3A, %select_n3A_41, %dma_start3A_147] : memref<26x32x16384xf32, #tpu.memory_space<hbm>> -> memref<1x1x4096xf32, #tpu.memory_space<hbm>>
      %dma_start3A_149 = tpu.memref_squeeze %dma_start3A_148 : memref<1x1x4096xf32, #tpu.memory_space<hbm>> -> memref<4096xf32, #tpu.memory_space<hbm>>
      %dma_start3A_150 = arith.constant 12288 : i32
      %dma_start3A_151 = tpu.memref_slice %arg4[%select_n3A, %select_n3A_41, %dma_start3A_150] : memref<26x32x16384xf32, #tpu.memory_space<hbm>> -> memref<1x1x4096xf32, #tpu.memory_space<hbm>>
      %dma_start3A_152 = tpu.memref_squeeze %dma_start3A_151 : memref<1x1x4096xf32, #tpu.memory_space<hbm>> -> memref<4096xf32, #tpu.memory_space<hbm>>
      %dma_start3A_153 = arith.constant 0 : i32
      %dma_start3A_154 = tpu.memref_slice %arg7[%dma_start3A_143, %dma_start3A_153] : memref<2x4096xf32, #tpu.memory_space<vmem>> -> memref<1x4096xf32, #tpu.memory_space<vmem>>
      %dma_start3A_155 = tpu.memref_squeeze %dma_start3A_154 : memref<1x4096xf32, #tpu.memory_space<vmem>> -> memref<4096xf32, #tpu.memory_space<vmem>>
      tpu.enqueue_dma source(%dma_start3A_155 : memref<4096xf32, #tpu.memory_space<vmem>>) target(%dma_start3A_152 : memref<4096xf32, #tpu.memory_space<hbm>>) target_semaphore(%arg10 : memref<!tpu.dma_semaphore, #tpu.memory_space<semaphore_mem>>)
      %dma_wait3A_156 = arith.constant 0 : i32
      %dma_wait3A_157 = arith.constant 0 : i32
      %dma_wait3A_158 = tpu.memref_slice %arg7[%dma_wait3A_156, %dma_wait3A_157] : memref<2x4096xf32, #tpu.memory_space<vmem>> -> memref<1x4096xf32, #tpu.memory_space<vmem>>
      %dma_wait3A_159 = tpu.memref_squeeze %dma_wait3A_158 : memref<1x4096xf32, #tpu.memory_space<vmem>> -> memref<4096xf32, #tpu.memory_space<vmem>>
      %dma_wait3A_160 = arith.constant 8192 : i32
      %dma_wait3A_161 = tpu.memref_slice %arg4[%select_n3A, %select_n3A_41, %dma_wait3A_160] : memref<26x32x16384xf32, #tpu.memory_space<hbm>> -> memref<1x1x4096xf32, #tpu.memory_space<hbm>>
      %dma_wait3A_162 = tpu.memref_squeeze %dma_wait3A_161 : memref<1x1x4096xf32, #tpu.memory_space<hbm>> -> memref<4096xf32, #tpu.memory_space<hbm>>
      %dma_wait3A_163 = arith.constant 8192 : i32
      %dma_wait3A_164 = tpu.memref_slice %arg4[%select_n3A, %select_n3A_41, %dma_wait3A_163] : memref<26x32x16384xf32, #tpu.memory_space<hbm>> -> memref<1x1x4096xf32, #tpu.memory_space<hbm>>
      %dma_wait3A_165 = tpu.memref_squeeze %dma_wait3A_164 : memref<1x1x4096xf32, #tpu.memory_space<hbm>> -> memref<4096xf32, #tpu.memory_space<hbm>>
      %dma_wait3A_166 = arith.constant 0 : i32
      %dma_wait3A_167 = tpu.memref_slice %arg7[%dma_wait3A_156, %dma_wait3A_166] : memref<2x4096xf32, #tpu.memory_space<vmem>> -> memref<1x4096xf32, #tpu.memory_space<vmem>>
      %dma_wait3A_168 = tpu.memref_squeeze %dma_wait3A_167 : memref<1x4096xf32, #tpu.memory_space<vmem>> -> memref<4096xf32, #tpu.memory_space<vmem>>
      tpu.wait_dma2 semaphore(%arg10 : memref<!tpu.dma_semaphore, #tpu.memory_space<semaphore_mem>>) src(%dma_wait3A_168 : memref<4096xf32, #tpu.memory_space<vmem>>) dst(%dma_wait3A_165 : memref<4096xf32, #tpu.memory_space<hbm>>)
      %dma_wait3A_169 = arith.constant 1 : i32
      %dma_wait3A_170 = arith.constant 0 : i32
      %dma_wait3A_171 = tpu.memref_slice %arg7[%dma_wait3A_169, %dma_wait3A_170] : memref<2x4096xf32, #tpu.memory_space<vmem>> -> memref<1x4096xf32, #tpu.memory_space<vmem>>
      %dma_wait3A_172 = tpu.memref_squeeze %dma_wait3A_171 : memref<1x4096xf32, #tpu.memory_space<vmem>> -> memref<4096xf32, #tpu.memory_space<vmem>>
      %dma_wait3A_173 = arith.constant 12288 : i32
      %dma_wait3A_174 = tpu.memref_slice %arg4[%select_n3A, %select_n3A_41, %dma_wait3A_173] : memref<26x32x16384xf32, #tpu.memory_space<hbm>> -> memref<1x1x4096xf32, #tpu.memory_space<hbm>>
      %dma_wait3A_175 = tpu.memref_squeeze %dma_wait3A_174 : memref<1x1x4096xf32, #tpu.memory_space<hbm>> -> memref<4096xf32, #tpu.memory_space<hbm>>
      %dma_wait3A_176 = arith.constant 12288 : i32
      %dma_wait3A_177 = tpu.memref_slice %arg4[%select_n3A, %select_n3A_41, %dma_wait3A_176] : memref<26x32x16384xf32, #tpu.memory_space<hbm>> -> memref<1x1x4096xf32, #tpu.memory_space<hbm>>
      %dma_wait3A_178 = tpu.memref_squeeze %dma_wait3A_177 : memref<1x1x4096xf32, #tpu.memory_space<hbm>> -> memref<4096xf32, #tpu.memory_space<hbm>>
      %dma_wait3A_179 = arith.constant 0 : i32
      %dma_wait3A_180 = tpu.memref_slice %arg7[%dma_wait3A_169, %dma_wait3A_179] : memref<2x4096xf32, #tpu.memory_space<vmem>> -> memref<1x4096xf32, #tpu.memory_space<vmem>>
      %dma_wait3A_181 = tpu.memref_squeeze %dma_wait3A_180 : memref<1x4096xf32, #tpu.memory_space<vmem>> -> memref<4096xf32, #tpu.memory_space<vmem>>
      tpu.wait_dma2 semaphore(%arg10 : memref<!tpu.dma_semaphore, #tpu.memory_space<semaphore_mem>>) src(%dma_wait3A_181 : memref<4096xf32, #tpu.memory_space<vmem>>) dst(%dma_wait3A_178 : memref<4096xf32, #tpu.memory_space<hbm>>)
      scf.yield %select_n3A : i32
    }
    %scan3A_6 = arith.constant 26 : i32
    return
  }
}

module attributes {stable_mosaic.version = 14 : i64} {
  func.func @_mlp_body(%arg0: i32, %arg1: memref<13x1024xf32, #tpu.memory_space<vmem>>, %arg2: memref<832x1024xf32, #tpu.memory_space<vmem>>, %arg3: memref<8x13xf32, #tpu.memory_space<vmem>>, %arg4: memref<8x832xf32, #tpu.memory_space<vmem>>, %arg5: memref<8x1xf32, #tpu.memory_space<vmem>>, %arg6: memref<845x8xf32, #tpu.memory_space<vmem>>, %arg7: memref<845x1xf32, #tpu.memory_space<vmem>>, %arg8: memref<845x1024xf32, #tpu.memory_space<vmem>>) attributes {dimension_semantics = [#tpu.dimension_semantics<arbitrary>], iteration_bounds = array<i64: 16>, scalar_prefetch = 0 : i64, scratch_operands = 0 : i64, tpu.core_type = #tpu.core_type<tc>, window_params = [{transform_indices = @transform_0, window_bounds = array<i64: 13, 1024>}, {transform_indices = @transform_1, window_bounds = array<i64: 832, 1024>}, {pipeline_mode = #tpu.pipeline_mode<synchronous>, transform_indices = @transform_2, window_bounds = array<i64: 8, 13>}, {pipeline_mode = #tpu.pipeline_mode<synchronous>, transform_indices = @transform_3, window_bounds = array<i64: 8, 832>}, {pipeline_mode = #tpu.pipeline_mode<synchronous>, transform_indices = @transform_4, window_bounds = array<i64: 8, 1>}, {pipeline_mode = #tpu.pipeline_mode<synchronous>, transform_indices = @transform_5, window_bounds = array<i64: 845, 8>}, {pipeline_mode = #tpu.pipeline_mode<synchronous>, transform_indices = @transform_6, window_bounds = array<i64: 845, 1>}, {transform_indices = @transform_7, window_bounds = array<i64: 845, 1024>}]} {
    %get3A = arith.constant 0 : index
    %get3A_0 = arith.constant 0 : index
    %get3A_1 = vector.load %arg1[%get3A, %get3A_0] : memref<13x1024xf32, #tpu.memory_space<vmem>>, vector<13x1024xf32>
    %get3A_2 = arith.constant 0 : index
    %get3A_3 = arith.constant 0 : index
    %get3A_4 = vector.load %arg2[%get3A_2, %get3A_3] : memref<832x1024xf32, #tpu.memory_space<vmem>>, vector<832x1024xf32>
    %get3A_5 = arith.constant 0 : index
    %get3A_6 = arith.constant 0 : index
    %get3A_7 = vector.load %arg3[%get3A_5, %get3A_6] : memref<8x13xf32, #tpu.memory_space<vmem>>, vector<8x13xf32>
    %dot_general3A = arith.constant dense<0.000000e+00> : vector<8x1024xf32>
    %dot_general3A_8 = tpu.matmul %get3A_7, %get3A_1, %dot_general3A {dimension_numbers = #tpu.dot_dimension_numbers<[1], [0], [0], [1], [0, 0, 1, 1], [], []>, transpose_lhs_hint = false} : vector<8x13xf32>, vector<13x1024xf32>, vector<8x1024xf32> -> vector<8x1024xf32>
    %get3A_9 = arith.constant 0 : index
    %get3A_10 = arith.constant 0 : index
    %get3A_11 = vector.load %arg4[%get3A_9, %get3A_10] : memref<8x832xf32, #tpu.memory_space<vmem>>, vector<8x832xf32>
    %dot_general3A_12 = arith.constant dense<0.000000e+00> : vector<8x1024xf32>
    %dot_general3A_13 = tpu.matmul %get3A_11, %get3A_4, %dot_general3A_12 {dimension_numbers = #tpu.dot_dimension_numbers<[1], [0], [0], [1], [0, 0, 1, 1], [], []>, transpose_lhs_hint = false} : vector<8x832xf32>, vector<832x1024xf32>, vector<8x1024xf32> -> vector<8x1024xf32>
    %add3A = arith.addf %dot_general3A_8, %dot_general3A_13 : vector<8x1024xf32>
    %get3A_14 = arith.constant 0 : index
    %get3A_15 = arith.constant 0 : index
    %get3A_16 = vector.load %arg5[%get3A_14, %get3A_15] : memref<8x1xf32, #tpu.memory_space<vmem>>, vector<8x1xf32>
    %add3A_17 = vector.broadcast %get3A_16 : vector<8x1xf32> to vector<8x1024xf32>
    %add3A_18 = arith.addf %add3A, %add3A_17 : vector<8x1024xf32>
    %ge3A = arith.constant 0.000000e+00 : f32
    %ge3A_19 = vector.broadcast %ge3A : f32 to vector<8x1024xf32>
    %ge3A_20 = arith.cmpf oge, %add3A_18, %ge3A_19 : vector<8x1024xf32>
    %mul3A = arith.constant 2.000000e-02 : f32
    %mul3A_21 = vector.broadcast %mul3A : f32 to vector<8x1024xf32>
    %mul3A_22 = arith.mulf %mul3A_21, %add3A_18 : vector<8x1024xf32>
    %select_n3A = arith.select %ge3A_20, %add3A_18, %mul3A_22 : vector<8x1024xi1>, vector<8x1024xf32>
    %get3A_23 = arith.constant 0 : index
    %get3A_24 = arith.constant 0 : index
    %get3A_25 = vector.load %arg6[%get3A_23, %get3A_24] : memref<845x8xf32, #tpu.memory_space<vmem>>, vector<845x8xf32>
    %dot_general3A_26 = arith.constant dense<0.000000e+00> : vector<845x1024xf32>
    %dot_general3A_27 = tpu.matmul %get3A_25, %select_n3A, %dot_general3A_26 {dimension_numbers = #tpu.dot_dimension_numbers<[1], [0], [0], [1], [0, 0, 1, 1], [], []>, transpose_lhs_hint = false} : vector<845x8xf32>, vector<8x1024xf32>, vector<845x1024xf32> -> vector<845x1024xf32>
    %get3A_28 = arith.constant 0 : index
    %get3A_29 = arith.constant 0 : index
    %get3A_30 = vector.load %arg7[%get3A_28, %get3A_29] : memref<845x1xf32, #tpu.memory_space<vmem>>, vector<845x1xf32>
    %add3A_31 = vector.broadcast %get3A_30 : vector<845x1xf32> to vector<845x1024xf32>
    %add3A_32 = arith.addf %dot_general3A_27, %add3A_31 : vector<845x1024xf32>
    %logistic3A = arith.negf %add3A_32 : vector<845x1024xf32>
    %logistic3A_33 = math.exp %logistic3A : vector<845x1024xf32>
    %logistic3A_34 = arith.constant 1.000000e+00 : f32
    %logistic3A_35 = vector.broadcast %logistic3A_34 : f32 to vector<845x1024xf32>
    %logistic3A_36 = arith.addf %logistic3A_35, %logistic3A_33 : vector<845x1024xf32>
    %logistic3A_37 = arith.divf %logistic3A_35, %logistic3A_36 : vector<845x1024xf32>
    %concatenate3A = tpu.concatenate %get3A_1, %get3A_4 in 0 : vector<13x1024xf32>, vector<832x1024xf32> -> vector<845x1024xf32>
    %mul3A_38 = arith.mulf %concatenate3A, %logistic3A_37 : vector<845x1024xf32>
    %swap3A = arith.constant 0 : index
    %swap3A_39 = arith.constant 0 : index
    %swap3A_40 = vector.load %arg8[%swap3A, %swap3A_39] : memref<845x1024xf32, #tpu.memory_space<vmem>>, vector<845x1024xf32>
    tpu.vector_store %arg8[%swap3A, %swap3A_39], %mul3A_38 {strides = array<i32>} : memref<845x1024xf32, #tpu.memory_space<vmem>>, vector<845x1024xf32>,
    return
  }
  func.func @transform_0(%arg0: i32) -> (i32, i32) {
    %c0_i32 = arith.constant 0 : i32
    %c0_i32_0 = arith.constant 0 : i32
    return %c0_i32, %arg0 : i32, i32
  }
  func.func @transform_1(%arg0: i32) -> (i32, i32) {
    %c0_i32 = arith.constant 0 : i32
    %c0_i32_0 = arith.constant 0 : i32
    return %c0_i32, %arg0 : i32, i32
  }
  func.func @transform_2(%arg0: i32) -> (i32, i32) {
    %c0_i32 = arith.constant 0 : i32
    %c0_i32_0 = arith.constant 0 : i32
    %c0_i32_1 = arith.constant 0 : i32
    return %c0_i32, %c0_i32_0 : i32, i32
  }
  func.func @transform_3(%arg0: i32) -> (i32, i32) {
    %c0_i32 = arith.constant 0 : i32
    %c0_i32_0 = arith.constant 0 : i32
    %c0_i32_1 = arith.constant 0 : i32
    return %c0_i32, %c0_i32_0 : i32, i32
  }
  func.func @transform_4(%arg0: i32) -> (i32, i32) {
    %c0_i32 = arith.constant 0 : i32
    %c0_i32_0 = arith.constant 0 : i32
    %c0_i32_1 = arith.constant 0 : i32
    return %c0_i32, %c0_i32_0 : i32, i32
  }
  func.func @transform_5(%arg0: i32) -> (i32, i32) {
    %c0_i32 = arith.constant 0 : i32
    %c0_i32_0 = arith.constant 0 : i32
    %c0_i32_1 = arith.constant 0 : i32
    return %c0_i32, %c0_i32_0 : i32, i32
  }
  func.func @transform_6(%arg0: i32) -> (i32, i32) {
    %c0_i32 = arith.constant 0 : i32
    %c0_i32_0 = arith.constant 0 : i32
    %c0_i32_1 = arith.constant 0 : i32
    return %c0_i32, %c0_i32_0 : i32, i32
  }
  func.func @transform_7(%arg0: i32) -> (i32, i32) {
    %c0_i32 = arith.constant 0 : i32
    %c0_i32_0 = arith.constant 0 : i32
    return %c0_i32, %arg0 : i32, i32
  }
}

</mosaic_0001>

<sc_bundles>
// kernel: kernel.4.cloned.1.call-start
scs
__scs_entry_jumppad:
0x0: {  	(pc) =	sbr.rel $0x88, $3  }
0x1: {  	(tag) =	ssettag $0x0;
	lr =	simm.s32 $0x1  }
0x2: {  	[smem:$0x3F9A] =	sst lr;
	_ =	strace $0xD0000000  }
0x3: {  	_ = 	snop  }
0x4: {  	_ = 	snop  }
0x5: {  	_ = 	snop  }
0x6: {  	_ = 	snop  }
0x7: {  	_ = 	snop  }
__scs_overlays_trampoline_lowered:
0x8: {  	[smem:$0x3FA9] =	sst s0  }
0x9: {  	[smem:$0x3FAA] =	sst s1  }
0xa: {  	[smem:$0x3FAB] =	sst s2  }
0xb: {  	[smem:$0x3FAC] =	sst s3  }
0xc: {  	[smem:$0x3FAD] =	sst s4  }
0xd: {  	[smem:$0x3FAE] =	sst s5  }
0xe: {  	[smem:$0x3FAF] =	sst s6  }
0xf: {  	[smem:$0x3FB0] =	sst s7  }
0x10: {  	[smem:$0x3FB1] =	sst s8  }
0x11: {  	[smem:$0x3FB2] =	sst s9;
	s0 =	simm.s32 @!p0 $0x0  }
0x12: {  	s1 =	sld [smem:$0x3F98];
	s0 =	simm.s32 @p0 $0x1  }
0x13: {  	[smem:$0x3FB3] =	sst s0;
	s0 =	simm.s32 @!p1 $0x0  }
0x14: {  	s2 =	sld [smem:$0x3F97];
	s0 =	simm.s32 @p1 $0x1  }
0x15: {  	[smem:$0x3FB4] =	sst s0;
	s0 =	simm.s32 @!p2 $0x0  }
0x16: {  	s3 =	sld [smem:$0x3FDB];
	s0 =	simm.s32 @p2 $0x1  }
0x17: {  	s4 =	simm.s32 $0x1BF5;
	[smem:$0x3FB6] =	sst s0  }
0x18: {  	s0 =	sld [smem:$0x3F99];
	_ =	swait.ge [sflag:s4], $0x0  }
0x19: {  	s7 =	sld [smem:$0x3F9A]  }
0x1a: {  	s8 =	sadd.s32 $0xFFFFE003, lr  }
0x1b: {  	s9 =	sadd.s32 $0xFFFFFEF7, lr;
	s5 =	simm.s32 $0xFFFFFFFF;
	p2 =	slt.u32 s8, $0xFFFFF086  }
0x1c: {  	p1 =	slt.u32 s9, $0xF7A;
	s5 =	simm.s32 @!p2 $0x0  }
0x1d: {  	s5 =	simm.s32 @p1 $0x1;
	p0 =	seq.s32 s7, s2  }
0x1e: {  	s7 =	smul.u32 @!p0 $0xF7A, s2;
	p2 =	seq.s32 @!p0 s5, $0x0  }
0x1f: {  	s9 =	smul.u32 $0xF7A, s1;
	s8 =	simm.s32 @!p0 $0x1BF5;
	p2 =	por !p2, p0  }
0x20: {  	[sflag:s8] =	ssyncset.s32 @!p0 $0xFFFFF086;
	s6 =	sadd.s32 @!p0 s3, s7;
	s7 =	simm.s32 @!p0 $0x108  }
0x21: {  	s3 =	sadd.s32 s3, s9;
	s6 =	sadd.s32 @!p0 $0x88, s6;
	s7 =	simm.s32 @p2 $0x1082  }
0x22: {  	[simem:s7], [sflag:s8] =	dma.local @!p0 [hbm:s6], $0xF7A  }
0x23: {  	s9 =	sor.u32 $0xD0000000, s2;
	s6 =	simm.s32 $0x108;
	_ =	swait.ge @!p0 [sflag:s8], $0x0  }
0x24: {  	s3 =	sadd.s32 $0x88, s3;
	s6 =	simm.s32 @!p1 $0x1082;
	[sflag:s4] =	ssyncset.s32 $0xFFFFF086  }
0x25: {  	[simem:s6], [sflag:s4] =	dma.local [hbm:s3], $0xF7A  }
0x26: {  	[smem:$0x3F9A] =	sst s1;
	(tag) =	ssettag s2;
	_ =	strace s9  }
0x27: {  	s1 =	sld [smem:$0x3FAA]  }
0x28: {  	s2 =	sld [smem:$0x3FAB]  }
0x29: {  	s4 =	sld [smem:$0x3FAD]  }
0x2a: {  	p0 =	seq.s32 s5, $0x0;
	s5 =	sld [smem:$0x3FAE]  }
0x2b: {  	s6 =	sld [smem:$0x3FAF]  }
0x2c: {  	s7 =	sld [smem:$0x3FB0]  }
0x2d: {  	s3 =	simm.s32 $0x108;
	s8 =	sld [smem:$0x3FB1]  }
0x2e: {  	s3 =	simm.s32 @!p0 $0x1082;
	s9 =	sld [smem:$0x3FB2]  }
0x2f: {  	lr =	sadd.s32 s0, s3;
	s0 =	sld [smem:$0x3FA9]  }
0x30: {  	s3 =	sld [smem:$0x3FAC]  }
0x31: {  	[smem:$0x3FB5] =	sst s10  }
0x32: {  	s10 =	sld [smem:$0x3FB3];
	_ =	sdelay $0x3  }
0x33: {  	p0 =	seq.s32 s10, $0x1;
	s10 =	sld [smem:$0x3FB5];
	_ =	sdelay $0x3  }
0x34: {  	[smem:$0x3FB5] =	sst s10  }
0x35: {  	s10 =	sld [smem:$0x3FB4];
	_ =	sdelay $0x3  }
0x36: {  	p1 =	seq.s32 s10, $0x1;
	s10 =	sld [smem:$0x3FB5];
	_ =	sdelay $0x3  }
0x37: {  	[smem:$0x3FB5] =	sst s10  }
0x38: {  	s10 =	sld [smem:$0x3FB6]  }
0x39: {  	_ = 	snop;
	(pc) =	sbr.ind lr, $3  }
0x3a: {  	_ = 	snop  }
0x3b: {  	_ = 	snop  }
0x3c: {  	p2 =	seq.s32 s10, $0x1;
	s10 =	sld [smem:$0x3FB5]  }
0x3d: {  	_ =	shalt  }
0x3e: {  	_ =	shalt  }
0x3f: {  	_ =	shalt  }
0x40: {  	_ =	shalt  }
0x41: {  	_ =	shalt  }
0x42: {  	_ =	shalt  }
0x43: {  	_ =	shalt  }
0x44: {  	_ =	shalt  }
0x45: {  	_ =	shalt  }
0x46: {  	_ =	shalt  }
0x47: {  	_ =	shalt  }
0x48: {  	_ =	shalt  }
0x49: {  	_ =	shalt  }
0x4a: {  	_ =	shalt  }
0x4b: {  	_ =	shalt  }
0x4c: {  	_ =	shalt  }
0x4d: {  	_ =	shalt  }
0x4e: {  	_ =	shalt  }
0x4f: {  	_ =	shalt  }
0x50: {  	_ =	shalt  }
0x51: {  	_ =	shalt  }
0x52: {  	_ =	shalt  }
0x53: {  	_ =	shalt  }
0x54: {  	_ =	shalt  }
0x55: {  	_ =	shalt  }
0x56: {  	_ =	shalt  }
0x57: {  	_ =	shalt  }
0x58: {  	_ =	shalt  }
0x59: {  	_ =	shalt  }
0x5a: {  	_ =	shalt  }
0x5b: {  	_ =	shalt  }
0x5c: {  	_ =	shalt  }
0x5d: {  	_ =	shalt  }
0x5e: {  	_ =	shalt  }
0x5f: {  	_ =	shalt  }
0x60: {  	_ =	shalt  }
0x61: {  	_ =	shalt  }
0x62: {  	_ =	shalt  }
0x63: {  	_ =	shalt  }
0x64: {  	_ =	shalt  }
0x65: {  	_ =	shalt  }
0x66: {  	_ =	shalt  }
0x67: {  	_ =	shalt  }
0x68: {  	_ =	shalt  }
0x69: {  	_ =	shalt  }
0x6a: {  	_ =	shalt  }
0x6b: {  	_ =	shalt  }
0x6c: {  	_ =	shalt  }
0x6d: {  	_ =	shalt  }
0x6e: {  	_ =	shalt  }
0x6f: {  	_ =	shalt  }
0x70: {  	_ =	shalt  }
0x71: {  	_ =	shalt  }
0x72: {  	_ =	shalt  }
0x73: {  	_ =	shalt  }
0x74: {  	_ =	shalt  }
0x75: {  	_ =	shalt  }
0x76: {  	_ =	shalt  }
0x77: {  	_ =	shalt  }
0x78: {  	_ =	shalt  }
0x79: {  	_ =	shalt  }
0x7a: {  	_ =	shalt  }
0x7b: {  	_ =	shalt  }
0x7c: {  	_ =	shalt  }
0x7d: {  	_ =	shalt  }
0x7e: {  	_ =	shalt  }
0x7f: {  	_ =	shalt  }
0x80: {  	_ =	shalt  }
0x81: {  	_ =	shalt  }
0x82: {  	_ =	shalt  }
0x83: {  	_ =	shalt  }
0x84: {  	_ =	shalt  }
0x85: {  	_ =	shalt  }
0x86: {  	_ =	shalt  }
0x87: {  	_ =	shalt  }
.Lfunc_end0:
.L_simem_size_0:
called_computation_lowered:
.L_overlay_start_0:
0x88: {  	s2 =	sld [smem:$0x3FD9]  }
0x89: {  	s3 =	sld [smem:$0x3FFE];
	_ =	sdelay $0x1  }
0x8a: {  	s1 =	srdreg.scid  }
0x8b: {  	s0 =	sand.u32 $0x1, s1  }
0x8c: {  	s17 =	sshll.u32 s0, $0xA;
	s2 =	sadd.s32 s3, s2  }
0x8d: {  	s2 =	sadd.s32 s2, s17  }
0x8e: {  	[smem:$0x3FC1] =	sst s2  }
0x8f: {  	_ = 	snop  }
0x90: {  	s2 =	sld [smem:$0x3FC8]  }
0x91: {  	s18 =	sld [smem:$0x3FC7];
	(tm) =	ssettm $0x1  }
0x92: {  	s4 =	sld [smem:$0x3FFB];
	_ =	sdelay $0x3  }
0x93: {  	_ =	strace s4  }
0x94: {  	s4 =	sld [smem:$0x3FFC];
	_ =	sdelay $0x3  }
0x95: {  	_ =	strace s4  }
0x96: {  	s4 =	sld [smem:$0x3FFD];
	_ =	sdelay $0x3  }
0x97: {  	_ =	strace s4  }
0x98: {  	_ =	strace $0x8FFFFFFF  }
0x99: {  	s19 =	sld [smem:$0x3FDB];
	_ =	sdelay $0x1  }
0x9a: {  	s5 =	simm.s32 $_scs_section_size  }
0x9b: {  	s6 =	simm.s32 $_size__tile_overlayer_lowered;
	s7 =	simm.s32 $_tile_overlayer_lowered  }
0x9c: {  	s22 =	simm.s32 $0x1BFF;
	s21 =	sshll.u32 s7, $0x1;
	s4 =	sadd.s32 s5, s19  }
0x9d: {  	s8 =	simm.s32 $0x0;
	s20 =	sshll.u32 s6, $0x1;
	s6 =	sadd.s32 s21, s4  }
0x9e: {  	[timem:s8], [sflag:s22] =	dma.local [hbm:s6], s20  }
0x9f: {  	_ =	swait.ge [sflag:s22], s20  }
0xa0: {  	s5 =	ssub.s32 $0x0, s20;
	[sflag:s22] =	ssyncset.done $0x0  }
0xa1: {  	[sflag:s22] =	ssyncadd.s32 s5;
	_ =	sdelay $0x1  }
0xa2: {  	s23 =	simm.s32 $0x1B8B  }
0xa3: {  	_ =	swait.ge [sflag:s23], $0x1  }
0xa4: {  	[sflag:s23] =	ssyncset.done $0x0  }
0xa5: {  	s25 =	simm.s32 $0x1B8E;
	s24 =	sld [smem:$0x3FFE];
	[sflag:s23] =	ssyncadd.s32 $0xFFFFFFFF  }
0xa6: {  	s26 =	simm.s32 $execute0_lowered;
	[smem:$0x3FD2] =	sst s25  }
0xa7: {  	s6 =	sshll.u32 s26, $0x1;
	_ =	strace $0x80000046;
	[dreg:$0x1] =	wrdreg $0xFFFFFFFF  }
0xa8: {  	s28 =	simm.s32 $_size_execute0_lowered;
	s4 =	sadd.s32 s4, s6;
	[dreg:$0x0] =	wrdreg $0x0  }
0xa9: {  	s6 =	sshll.u32 s28, $0x1;
	[dreg:$0x2] =	wrdreg s4  }
0xaa: {  	[dreg:$0x3] =	wrdreg s6  }
0xab: {  	[dreg:$0x4] =	wrdreg $0xC0  }
0xac: {  	_ =	task [dreg:s8], $0x5FFFF  }
0xad: {  	[dreg:$0x1] =	wrdreg $0xFFFFFFFF  }
0xae: {  	[dreg:$0x0] =	wrdreg $0x60  }
0xaf: {  	[dreg:$0x2] =	wrdreg s2  }
0xb0: {  	[dreg:$0x3] =	wrdreg s18  }
0xb1: {  	[dreg:$0x4] =	wrdreg s24  }
0xb2: {  	[dreg:$0x5] =	wrdreg $0x9  }
0xb3: {  	_ =	task.clear_ibuf [dreg:s8], $0x6FFFF;
	_ =	strace $0x90000046  }
0xb4: {  	s29 =	simm.s32 $0x9;
	_ =	strace $0x80000048  }
0xb5: {  	_ =	swait.ge [sflag:s29], $0x1  }
0xb6: {  	[sflag:s29] =	ssyncadd.s32 $0xFFFFFFFF  }
0xb7: {  	_ =	strace $0x90000048  }
0xb8: {  	_ =	sfence  }
0xb9: {  	s30 =	sld [smem:$0x0];
	_ =	sdelay $0x2  }
0xba: {  	s31 =	sshll.u32 s1, $0xD;
	s1 =	sshrl.u32 s1, $0x2  }
0xbb: {  	s3 =	sand.u32 $0x4000, s31;
	s1 =	sadd.s32 s1, s30  }
0xbc: {  	s0 =	sor.u32 s3, s0;
	s1 =	sshll.u32 s1, $0x11  }
0xbd: {  	s0 =	sor.u32 s1, s0  }
0xbe: {  	s0 =	sadd.s32 $0x8F2B, s0  }
0xbf: {  	[sflag:s0] =	ssyncadd.remote.s32 $0x1  }
0xc0: {  	_ =	sfence.sel $0xFFFF  }
0xc1: {  	[dreg:$0x0] =	wrdreg $0xFFFFFFFF;
	(pc) =	sbr.abs _section_cstart, $3  }
0xc2: {  	[dreg:$0x1] =	wrdreg $0xFFFFFFFF  }
0xc3: {  	_ =	task.clear_ibuf [dreg:s8], $0x2FFFF;
	_ =	strace $0x9FFFFFFF  }
0xc4: {  	(tm) =	ssettm $0x7FFFFFFF  }
0xc5: {  	_ =	shalt  }
tec
execute0_lowered:
.L_overlay_start_1:
0x0: {  	(tag) =	ssettag $0x1  }
0x1: {  	s1 =	rddreg [dreg:$0x0]  }
0x2: {  	s2 =	rddreg [dreg:$0x1]  }
0x3: {  	s9 =	rddreg [dreg:$0x2]  }
0x4: {  	s0 =	rddreg [dreg:$0x3];
	s5 =	srdreg.scid  }
0x5: {  	s4 =	simm.s32 $0x0;
	s3 =	stileid.u32;
	s11 =	simm.s32 $0x80  }
0x6: {  	s12 =	simm.s32 $0x400;
	s13 =	simm.s32 $0x1;
	s14 =	simm.s32 $0x3  }
0x7: {  	s15 =	simm.s32 $0x0;
	s5 =	sand.u32 $0x1, s5;
	[smem:$0x7FF] =	sst s4  }
0x8: {  	s7 =	sshll.u32 s3, $0x1;
	s6 =	ssub.s32 $0x2, s5;
	_ =	strace $0x80000047  }
0x9: {  	s7 =	sor.u32 s5, s7;
	s5 =	sadd.s32 $0xE00, s9;
	s8 =	sshrl.u32 s6, $0x1  }
0xa: {  	s10 =	ssub.s32 s6, s8;
	s6 =	smul.u32 $0x1A, s7;
	s7 =	sadd.s32 $0x1E00, s9  }
0xb: {  	s8 =	sadd.s32 $0x2E00, s9;
	s9 =	sadd.s32 $0x3E00, s9;
	s10 =	smax.u32 s10, $0x1  }
.LBB2_1:
0xc: {  	s17 =	simm.s32 $0xFFFFFFFF;
	s16 =	simm.s32 $0x0  }
.LBB2_2:
0xd: {  	s19 =	sadd.s32 s6, s16  }
0xe: {  	s20 =	smov.u32 s17;
	s17 =	sshrl.u32 s19, $0x5;
	s18 =	sshrl.u32 s19, $0x3  }
0xf: {  	s18 =	sand.u32 $0x3, s18;
	s21 =	smul.u32 $0x30E000, s17  }
0x10: {  	s22 =	smul.u32 $0xC3800, s18  }
0x11: {  	s19 =	sshll.u32 s19, $0x7  }
0x12: {  	s19 =	sand.u32 $0x380, s19;
	s21 =	sadd.s32 s21, s22  }
0x13: {  	s21 =	sor.u32 s19, s21  }
0x14: {  	p0 =	seq.s32 s17, s20;
	s21 =	sshrl.u32 s21, $0x3  }
0x15: {  	s20 =	sshll.u32 @!p0 s17, $0x4;
	s21 =	sadd.s32 s2, s21  }
0x16: {  	[tilespmem:s4], [sflag:$0x1] =	stream.strided.gather [hbm4b:s21+s11], $0x18700, s12, s11, $0x38;
	[tilespmem:$0x1E700] =	vst v63  }
0x17: {  	s20 =	sand.u32 @!p0 $0x70, s20;
	s21 =	sshll.u32 @!p0 s17, $0xB  }
0x18: {  	s23 =	simm.s32 @!p0 $0x18700;
	s20 =	sadd.s32 @!p0 s1, s20;
	s21 =	sand.u32 @!p0 $0xFFFC000, s21  }
0x19: {  	s22 =	simm.s32 @!p0 $0x400;
	s20 =	sadd.s32 @!p0 s21, s20;
	s21 =	simm.s32 @!p0 $0x80  }
0x1a: {  	[tilespmem:s23], [sflag:$0x2] =	stream.strided.gather @!p0 [hbm4b:s20+s21], $0x4000, s22, s21, $0x38;
	[tilespmem:$0x1E700] =	vst v63  }
0x1b: {  	s20 =	simm.s32 @!p0 $0x2  }
0x1c: {  	_ =	swait.ge @!p0 [sflag:s20], $0x4000  }
0x1d: {  	[sflag:s20] =	ssyncset.done @!p0 $0x0  }
0x1e: {  	[sflag:s20] =	ssyncadd.s32 @!p0 $0xFFFFC000  }
0x1f: {  	_ =	swait.ge [sflag:s13], $0x18700  }
0x20: {  	[sflag:s13] =	ssyncset.done $0x0  }
0x21: {  	s20 =	simm.s32 $0x18780;
	[sflag:s13] =	ssyncadd.s32 $0xFFFE7900  }
0x22: {  	v1 =	vld [tilespmem:s20+$0xFFFFFF80]  }
0x23: {  	v2 =	vld [tilespmem:s20+$0xFFFFFF90]  }
0x24: {  	v8 =	vld [tilespmem:s20+$0xFFFFFFA0]  }
0x25: {  	v9 =	vld [tilespmem:s20+$0xFFFFFFB0]  }
0x26: {  	v10 =	vld [tilespmem:s20+$0xFFFFFFC0]  }
0x27: {  	v11 =	vld [tilespmem:s20+$0xFFFFFFD0]  }
0x28: {  	v12 =	vld [tilespmem:s20+$0xFFFFFFE0]  }
0x29: {  	v13 =	vld [tilespmem:s20+$0xFFFFFFF0]  }
0x2a: {  	v14 =	vld [tilespmem:s20+$0x0]  }
0x2b: {  	v3 =	vld [tilespmem:s20+$0x10]  }
0x2c: {  	v4 =	vld [tilespmem:s20+$0x20]  }
0x2d: {  	v5 =	vld [tilespmem:s20+$0x30]  }
0x2e: {  	v6 =	vld [tilespmem:s20+$0x40]  }
0x2f: {  	v7 =	vld [tilespmem:s20+$0x50]  }
0x30: {  	v0 =	vld [tilespmem:s20+$0x60]  }
0x31: {  	v15 =	vld [tilespmem:s20+$0x70]  }
0x32: {  	v1 =	vld.idx.msk [tilespmem:v1+s4+$0x0], $0xffff  }
0x33: {  	s21 =	simm.s32 $0x0;
	s22 =	simm.s32 $0x800;
	v2 =	vld.idx.msk [tilespmem:v2+s4+$0x0], $0xffff  }
.LBB2_3:
0x34: {  	p0 =	sne.s32 s22, $0x7800;
	v8 =	vld.idx.msk [tilespmem:v8+s4+$0x0], $0xffff  }
0x35: {  	v9 =	vld.idx.msk [tilespmem:v9+s4+$0x0], $0xffff  }
0x36: {  	v10 =	vld.idx.msk [tilespmem:v10+s4+$0x0], $0xffff  }
0x37: {  	v11 =	vld.idx.msk [tilespmem:v11+s4+$0x0], $0xffff  }
0x38: {  	v12 =	vld.idx.msk [tilespmem:v12+s4+$0x0], $0xffff  }
0x39: {  	v13 =	vld.idx.msk [tilespmem:v13+s4+$0x0], $0xffff  }
0x3a: {  	v14 =	vld.idx.msk [tilespmem:v14+s4+$0x0], $0xffff  }
0x3b: {  	v15 =	vld.idx.msk [tilespmem:v15+s4+$0x0], $0xffff  }
0x3c: {  	v3 =	vld.idx.msk [tilespmem:v3+s4+$0x0], $0xffff  }
0x3d: {  	v4 =	vld.idx.msk [tilespmem:v4+s4+$0x0], $0xffff  }
0x3e: {  	v5 =	vld.idx.msk [tilespmem:v5+s4+$0x0], $0xffff  }
0x3f: {  	v6 =	vld.idx.msk [tilespmem:v6+s4+$0x0], $0xffff  }
0x40: {  	s23 =	sshra.s32 s21, $0x2;
	s21 =	smov.u32 s22;
	v7 =	vld.idx.msk [tilespmem:v7+s4+$0x0], $0xffff  }
0x41: {  	v0 =	vld.idx.msk [tilespmem:v0+s4+$0x0], $0xffff;
	[tilespmem:s23+$0x1C870] =	vst v15  }
0x42: {  	[tilespmem:s23+$0x1C700] =	vst v1  }
0x43: {  	[tilespmem:s23+$0x1C710] =	vst v2  }
0x44: {  	[tilespmem:s23+$0x1C720] =	vst v8  }
0x45: {  	[tilespmem:s23+$0x1C730] =	vst v9  }
0x46: {  	[tilespmem:s23+$0x1C740] =	vst v10  }
0x47: {  	[tilespmem:s23+$0x1C750] =	vst v11  }
0x48: {  	[tilespmem:s23+$0x1C760] =	vst v12  }
0x49: {  	[tilespmem:s23+$0x1C770] =	vst v13  }
0x4a: {  	[tilespmem:s23+$0x1C800] =	vst v14  }
0x4b: {  	[tilespmem:s23+$0x1C810] =	vst v3  }
0x4c: {  	[tilespmem:s23+$0x1C820] =	vst v4  }
0x4d: {  	[tilespmem:s23+$0x1C830] =	vst v5  }
0x4e: {  	[tilespmem:s23+$0x1C840] =	vst v6  }
0x4f: {  	[tilespmem:s23+$0x1C850] =	vst v7  }
0x50: {  	s20 =	sadd.s32 $0x100, s20;
	[tilespmem:s23+$0x1C860] =	vst v0  }
0x51: {  	v1 =	vld [tilespmem:s20+$0xFFFFFF80]  }
0x52: {  	v2 =	vld [tilespmem:s20+$0xFFFFFF90]  }
0x53: {  	v8 =	vld [tilespmem:s20+$0xFFFFFFA0]  }
0x54: {  	v9 =	vld [tilespmem:s20+$0xFFFFFFB0]  }
0x55: {  	v10 =	vld [tilespmem:s20+$0xFFFFFFC0]  }
0x56: {  	v11 =	vld [tilespmem:s20+$0xFFFFFFD0]  }
0x57: {  	v12 =	vld [tilespmem:s20+$0xFFFFFFE0]  }
0x58: {  	v13 =	vld [tilespmem:s20+$0xFFFFFFF0]  }
0x59: {  	v14 =	vld [tilespmem:s20+$0x0]  }
0x5a: {  	v3 =	vld [tilespmem:s20+$0x10]  }
0x5b: {  	v4 =	vld [tilespmem:s20+$0x20]  }
0x5c: {  	v5 =	vld [tilespmem:s20+$0x30]  }
0x5d: {  	v6 =	vld [tilespmem:s20+$0x40]  }
.Ltmp0:
0x5e: {  	v7 =	vld [tilespmem:s20+$0x50];
	(pc) =	sbr.rel @p0 .LBB2_3-.Ltmp0, $4  }
0x5f: {  	v0 =	vld [tilespmem:s20+$0x60]  }
0x60: {  	v15 =	vld [tilespmem:s20+$0x70]  }
0x61: {  	v1 =	vld.idx.msk [tilespmem:v1+s4+$0x0], $0xffff  }
0x62: {  	s22 =	sadd.s32 $0x800, s22;
	v2 =	vld.idx.msk [tilespmem:v2+s4+$0x0], $0xffff  }
0x63: {  	_ =	sdelay $0x3  }
0x64: {  	v8 =	vld.idx.msk [tilespmem:v8+s4+$0x0], $0xffff  }
0x65: {  	v9 =	vld.idx.msk [tilespmem:v9+s4+$0x0], $0xffff  }
0x66: {  	v10 =	vld.idx.msk [tilespmem:v10+s4+$0x0], $0xffff  }
0x67: {  	v11 =	vld.idx.msk [tilespmem:v11+s4+$0x0], $0xffff  }
0x68: {  	v12 =	vld.idx.msk [tilespmem:v12+s4+$0x0], $0xffff  }
0x69: {  	v13 =	vld.idx.msk [tilespmem:v13+s4+$0x0], $0xffff  }
0x6a: {  	v14 =	vld.idx.msk [tilespmem:v14+s4+$0x0], $0xffff  }
0x6b: {  	v3 =	vld.idx.msk [tilespmem:v3+s4+$0x0], $0xffff  }
0x6c: {  	v4 =	vld.idx.msk [tilespmem:v4+s4+$0x0], $0xffff  }
0x6d: {  	v5 =	vld.idx.msk [tilespmem:v5+s4+$0x0], $0xffff  }
0x6e: {  	v6 =	vld.idx.msk [tilespmem:v6+s4+$0x0], $0xffff  }
0x6f: {  	v7 =	vld.idx.msk [tilespmem:v7+s4+$0x0], $0xffff  }
0x70: {  	s21 =	sshra.s32 s21, $0x2;
	v0 =	vld.idx.msk [tilespmem:v0+s4+$0x0], $0xffff  }
0x71: {  	v15 =	vld.idx.msk [tilespmem:v15+s4+$0x0], $0xffff;
	[tilespmem:s21+$0x1C700] =	vst v1  }
0x72: {  	[tilespmem:s21+$0x1C710] =	vst v2  }
0x73: {  	[tilespmem:s21+$0x1C720] =	vst v8  }
0x74: {  	[tilespmem:s21+$0x1C730] =	vst v9  }
0x75: {  	[tilespmem:s21+$0x1C740] =	vst v10  }
0x76: {  	[tilespmem:s21+$0x1C750] =	vst v11  }
0x77: {  	[tilespmem:s21+$0x1C760] =	vst v12  }
0x78: {  	[tilespmem:s21+$0x1C770] =	vst v13  }
0x79: {  	[tilespmem:s21+$0x1C800] =	vst v14  }
0x7a: {  	[tilespmem:s21+$0x1C810] =	vst v3  }
0x7b: {  	[tilespmem:s21+$0x1C820] =	vst v4  }
0x7c: {  	s20 =	sshll.u32 s17, $0x13;
	s18 =	sshll.u32 s18, $0x11;
	[tilespmem:s21+$0x1C830] =	vst v5  }
0x7d: {  	s18 =	sor.u32 s20, s18;
	[tilespmem:s21+$0x1C840] =	vst v6  }
0x7e: {  	s18 =	sor.u32 s19, s18;
	[tilespmem:s21+$0x1C850] =	vst v7  }
0x7f: {  	s22 =	simm.s32 $0x0;
	s18 =	sshrl.u32 s18, $0x3;
	[tilespmem:s21+$0x1C860] =	vst v0  }
0x80: {  	s19 =	simm.s32 $0x0;
	s20 =	sadd.s32 s5, s18;
	[tilespmem:s21+$0x1C870] =	vst v15;
	s21 =	simm.s32 $0x1C700  }
.LBB2_5:
0x81: {  	p0 =	sne.s32 s22, $0xF80  }
.Ltmp1:
0x82: {  	_ = 	snop;
	(pc) =	sbr.rel @p0 .LBB2_5-.Ltmp1, $4  }
0x83: {  	_ = 	snop  }
0x84: {  	s23 =	sadd.s32 s22, s20  }
0x85: {  	[hbm4b:s23+s19] =	stream.linear.scatter [tilespmem:s21], [sflag:$0x3], $0x80, $0x38;
	[tilespmem:$0x1E700] =	vst v63  }
0x86: {  	s22 =	sadd.s32 $0x80, s22;
	s21 =	sadd.s32 $0x100, s21  }
0x87: {  	s20 =	simm.s32 $0x197F0  }
0x88: {  	v1 =	vld [tilespmem:s20+$0xFFFFFF10]  }
0x89: {  	v2 =	vld [tilespmem:s20+$0xFFFFFF20]  }
0x8a: {  	v8 =	vld [tilespmem:s20+$0xFFFFFF30]  }
0x8b: {  	v9 =	vld [tilespmem:s20+$0xFFFFFF40]  }
0x8c: {  	v10 =	vld [tilespmem:s20+$0xFFFFFF50]  }
0x8d: {  	v11 =	vld [tilespmem:s20+$0xFFFFFF60]  }
0x8e: {  	v12 =	vld [tilespmem:s20+$0xFFFFFF70]  }
0x8f: {  	v13 =	vld [tilespmem:s20+$0xFFFFFF80]  }
0x90: {  	v14 =	vld [tilespmem:s20+$0xFFFFFF90]  }
0x91: {  	v3 =	vld [tilespmem:s20+$0xFFFFFFA0]  }
0x92: {  	v4 =	vld [tilespmem:s20+$0xFFFFFFB0]  }
0x93: {  	v5 =	vld [tilespmem:s20+$0xFFFFFFC0]  }
0x94: {  	v6 =	vld [tilespmem:s20+$0xFFFFFFD0]  }
0x95: {  	v7 =	vld [tilespmem:s20+$0xFFFFFFE0]  }
0x96: {  	v0 =	vld [tilespmem:s20+$0xFFFFFFF0]  }
0x97: {  	v15 =	vld [tilespmem:s20+$0x0]  }
0x98: {  	v1 =	vld.idx.msk [tilespmem:v1+s4+$0x0], $0xffff  }
0x99: {  	s21 =	simm.s32 $0x800;
	v2 =	vld.idx.msk [tilespmem:v2+s4+$0x0], $0xffff  }
.LBB2_7:
0x9a: {  	p0 =	sne.s32 s21, $0x7800;
	v8 =	vld.idx.msk [tilespmem:v8+s4+$0x0], $0xffff  }
0x9b: {  	v9 =	vld.idx.msk [tilespmem:v9+s4+$0x0], $0xffff  }
0x9c: {  	v10 =	vld.idx.msk [tilespmem:v10+s4+$0x0], $0xffff  }
0x9d: {  	v11 =	vld.idx.msk [tilespmem:v11+s4+$0x0], $0xffff  }
0x9e: {  	v12 =	vld.idx.msk [tilespmem:v12+s4+$0x0], $0xffff  }
0x9f: {  	v13 =	vld.idx.msk [tilespmem:v13+s4+$0x0], $0xffff  }
0xa0: {  	v14 =	vld.idx.msk [tilespmem:v14+s4+$0x0], $0xffff  }
0xa1: {  	v15 =	vld.idx.msk [tilespmem:v15+s4+$0x0], $0xffff  }
0xa2: {  	v3 =	vld.idx.msk [tilespmem:v3+s4+$0x0], $0xffff  }
0xa3: {  	v4 =	vld.idx.msk [tilespmem:v4+s4+$0x0], $0xffff  }
0xa4: {  	v5 =	vld.idx.msk [tilespmem:v5+s4+$0x0], $0xffff  }
0xa5: {  	v6 =	vld.idx.msk [tilespmem:v6+s4+$0x0], $0xffff  }
0xa6: {  	s22 =	sshra.s32 s19, $0x2;
	s19 =	smov.u32 s21;
	v7 =	vld.idx.msk [tilespmem:v7+s4+$0x0], $0xffff  }
0xa7: {  	v0 =	vld.idx.msk [tilespmem:v0+s4+$0x0], $0xffff;
	[tilespmem:s22+$0x1C8F0] =	vst v15  }
0xa8: {  	[tilespmem:s22+$0x1C780] =	vst v1  }
0xa9: {  	[tilespmem:s22+$0x1C790] =	vst v2  }
0xaa: {  	[tilespmem:s22+$0x1C7A0] =	vst v8  }
0xab: {  	[tilespmem:s22+$0x1C7B0] =	vst v9  }
0xac: {  	[tilespmem:s22+$0x1C7C0] =	vst v10  }
0xad: {  	[tilespmem:s22+$0x1C7D0] =	vst v11  }
0xae: {  	[tilespmem:s22+$0x1C7E0] =	vst v12  }
0xaf: {  	[tilespmem:s22+$0x1C7F0] =	vst v13  }
0xb0: {  	[tilespmem:s22+$0x1C880] =	vst v14  }
0xb1: {  	[tilespmem:s22+$0x1C890] =	vst v3  }
0xb2: {  	[tilespmem:s22+$0x1C8A0] =	vst v4  }
0xb3: {  	[tilespmem:s22+$0x1C8B0] =	vst v5  }
0xb4: {  	[tilespmem:s22+$0x1C8C0] =	vst v6  }
0xb5: {  	[tilespmem:s22+$0x1C8D0] =	vst v7  }
0xb6: {  	s20 =	sadd.s32 $0x100, s20;
	[tilespmem:s22+$0x1C8E0] =	vst v0  }
0xb7: {  	v1 =	vld [tilespmem:s20+$0xFFFFFF10]  }
0xb8: {  	v2 =	vld [tilespmem:s20+$0xFFFFFF20]  }
0xb9: {  	v8 =	vld [tilespmem:s20+$0xFFFFFF30]  }
0xba: {  	v9 =	vld [tilespmem:s20+$0xFFFFFF40]  }
0xbb: {  	v10 =	vld [tilespmem:s20+$0xFFFFFF50]  }
0xbc: {  	v11 =	vld [tilespmem:s20+$0xFFFFFF60]  }
0xbd: {  	v12 =	vld [tilespmem:s20+$0xFFFFFF70]  }
0xbe: {  	v13 =	vld [tilespmem:s20+$0xFFFFFF80]  }
0xbf: {  	v14 =	vld [tilespmem:s20+$0xFFFFFF90]  }
0xc0: {  	v3 =	vld [tilespmem:s20+$0xFFFFFFA0]  }
0xc1: {  	v4 =	vld [tilespmem:s20+$0xFFFFFFB0]  }
0xc2: {  	v5 =	vld [tilespmem:s20+$0xFFFFFFC0]  }
0xc3: {  	v6 =	vld [tilespmem:s20+$0xFFFFFFD0]  }
.Ltmp2:
0xc4: {  	v7 =	vld [tilespmem:s20+$0xFFFFFFE0];
	(pc) =	sbr.rel @p0 .LBB2_7-.Ltmp2, $4  }
0xc5: {  	v0 =	vld [tilespmem:s20+$0xFFFFFFF0]  }
0xc6: {  	v15 =	vld [tilespmem:s20+$0x0]  }
0xc7: {  	v1 =	vld.idx.msk [tilespmem:v1+s4+$0x0], $0xffff  }
0xc8: {  	s21 =	sadd.s32 $0x800, s21;
	v2 =	vld.idx.msk [tilespmem:v2+s4+$0x0], $0xffff  }
0xc9: {  	_ =	sdelay $0x3  }
0xca: {  	v8 =	vld.idx.msk [tilespmem:v8+s4+$0x0], $0xffff  }
0xcb: {  	v9 =	vld.idx.msk [tilespmem:v9+s4+$0x0], $0xffff  }
0xcc: {  	v10 =	vld.idx.msk [tilespmem:v10+s4+$0x0], $0xffff  }
0xcd: {  	v11 =	vld.idx.msk [tilespmem:v11+s4+$0x0], $0xffff  }
0xce: {  	v12 =	vld.idx.msk [tilespmem:v12+s4+$0x0], $0xffff  }
0xcf: {  	v13 =	vld.idx.msk [tilespmem:v13+s4+$0x0], $0xffff  }
0xd0: {  	v14 =	vld.idx.msk [tilespmem:v14+s4+$0x0], $0xffff  }
0xd1: {  	v3 =	vld.idx.msk [tilespmem:v3+s4+$0x0], $0xffff  }
0xd2: {  	v4 =	vld.idx.msk [tilespmem:v4+s4+$0x0], $0xffff  }
0xd3: {  	v5 =	vld.idx.msk [tilespmem:v5+s4+$0x0], $0xffff  }
0xd4: {  	v6 =	vld.idx.msk [tilespmem:v6+s4+$0x0], $0xffff  }
0xd5: {  	v7 =	vld.idx.msk [tilespmem:v7+s4+$0x0], $0xffff  }
0xd6: {  	s21 =	sshra.s32 s19, $0x2;
	v0 =	vld.idx.msk [tilespmem:v0+s4+$0x0], $0xffff  }
0xd7: {  	v15 =	vld.idx.msk [tilespmem:v15+s4+$0x0], $0xffff;
	[tilespmem:s21+$0x1C780] =	vst v1  }
0xd8: {  	[tilespmem:s21+$0x1C790] =	vst v2  }
0xd9: {  	[tilespmem:s21+$0x1C7A0] =	vst v8  }
0xda: {  	[tilespmem:s21+$0x1C7B0] =	vst v9  }
0xdb: {  	[tilespmem:s21+$0x1C7C0] =	vst v10  }
0xdc: {  	[tilespmem:s21+$0x1C7D0] =	vst v11  }
0xdd: {  	[tilespmem:s21+$0x1C7E0] =	vst v12  }
0xde: {  	[tilespmem:s21+$0x1C7F0] =	vst v13  }
0xdf: {  	[tilespmem:s21+$0x1C880] =	vst v14  }
0xe0: {  	[tilespmem:s21+$0x1C890] =	vst v3  }
0xe1: {  	[tilespmem:s21+$0x1C8A0] =	vst v4  }
0xe2: {  	[tilespmem:s21+$0x1C8B0] =	vst v5  }
0xe3: {  	[tilespmem:s21+$0x1C8C0] =	vst v6  }
0xe4: {  	[tilespmem:s21+$0x1C8D0] =	vst v7  }
0xe5: {  	s19 =	sadd.s32 s18, s7;
	s20 =	simm.s32 $0x1C780;
	[tilespmem:s21+$0x1C8E0] =	vst v0  }
0xe6: {  	s22 =	simm.s32 $0x1C880;
	s23 =	sadd.s32 $0x0, s19;
	[tilespmem:s21+$0x1C8F0] =	vst v15;
	s21 =	simm.s32 $0x80  }
.LBB2_9:
0xe7: {  	[hbm4b:s23+s4] =	stream.linear.scatter [tilespmem:s20], [sflag:$0x3], $0x80, $0x38;
	[tilespmem:$0x1E700] =	vst v63  }
0xe8: {  	s23 =	smov.u32 s21;
	s20 =	smov.u32 s22;
	p0 =	sne.s32 s21, $0xF80  }
.Ltmp3:
0xe9: {  	s21 =	sadd.s32 $0x80, s21;
	(pc) =	sbr.rel @p0 .LBB2_9-.Ltmp3, $2  }
0xea: {  	_ =	sdelay $0x2  }
0xeb: {  	s22 =	sadd.s32 $0x100, s22;
	s23 =	sadd.s32 s23, s19  }
0xec: {  	[hbm4b:s23+s4] =	stream.linear.scatter [tilespmem:s20], [sflag:$0x3], $0x80, $0x38;
	[tilespmem:$0x1E700] =	vst v63  }
0xed: {  	_ =	swait.ge [sflag:s14], $0x1000  }
0xee: {  	[sflag:s14] =	ssyncset.done $0x0  }
0xef: {  	s19 =	simm.s32 $0x1A7F0;
	[sflag:s14] =	ssyncadd.s32 $0xFFFFF000  }
0xf0: {  	v1 =	vld [tilespmem:s19+$0xFFFFFF10]  }
0xf1: {  	v2 =	vld [tilespmem:s19+$0xFFFFFF20]  }
0xf2: {  	v8 =	vld [tilespmem:s19+$0xFFFFFF30]  }
0xf3: {  	v9 =	vld [tilespmem:s19+$0xFFFFFF40]  }
0xf4: {  	v10 =	vld [tilespmem:s19+$0xFFFFFF50]  }
0xf5: {  	v11 =	vld [tilespmem:s19+$0xFFFFFF60]  }
0xf6: {  	v12 =	vld [tilespmem:s19+$0xFFFFFF70]  }
0xf7: {  	v13 =	vld [tilespmem:s19+$0xFFFFFF80]  }
0xf8: {  	v14 =	vld [tilespmem:s19+$0xFFFFFF90]  }
0xf9: {  	v3 =	vld [tilespmem:s19+$0xFFFFFFA0]  }
0xfa: {  	v4 =	vld [tilespmem:s19+$0xFFFFFFB0]  }
0xfb: {  	v5 =	vld [tilespmem:s19+$0xFFFFFFC0]  }
0xfc: {  	v6 =	vld [tilespmem:s19+$0xFFFFFFD0]  }
0xfd: {  	v7 =	vld [tilespmem:s19+$0xFFFFFFE0]  }
0xfe: {  	v0 =	vld [tilespmem:s19+$0xFFFFFFF0]  }
0xff: {  	v15 =	vld [tilespmem:s19+$0x0]  }
0x100: {  	v1 =	vld.idx.msk [tilespmem:v1+s4+$0x0], $0xffff  }
0x101: {  	s20 =	simm.s32 $0x0;
	s21 =	simm.s32 $0x800;
	v2 =	vld.idx.msk [tilespmem:v2+s4+$0x0], $0xffff  }
.LBB2_11:
0x102: {  	p0 =	sne.s32 s21, $0x7800;
	v8 =	vld.idx.msk [tilespmem:v8+s4+$0x0], $0xffff  }
0x103: {  	v9 =	vld.idx.msk [tilespmem:v9+s4+$0x0], $0xffff  }
0x104: {  	v10 =	vld.idx.msk [tilespmem:v10+s4+$0x0], $0xffff  }
0x105: {  	v11 =	vld.idx.msk [tilespmem:v11+s4+$0x0], $0xffff  }
0x106: {  	v12 =	vld.idx.msk [tilespmem:v12+s4+$0x0], $0xffff  }
0x107: {  	v13 =	vld.idx.msk [tilespmem:v13+s4+$0x0], $0xffff  }
0x108: {  	v14 =	vld.idx.msk [tilespmem:v14+s4+$0x0], $0xffff  }
0x109: {  	v15 =	vld.idx.msk [tilespmem:v15+s4+$0x0], $0xffff  }
0x10a: {  	v3 =	vld.idx.msk [tilespmem:v3+s4+$0x0], $0xffff  }
0x10b: {  	v4 =	vld.idx.msk [tilespmem:v4+s4+$0x0], $0xffff  }
0x10c: {  	v5 =	vld.idx.msk [tilespmem:v5+s4+$0x0], $0xffff  }
0x10d: {  	v6 =	vld.idx.msk [tilespmem:v6+s4+$0x0], $0xffff  }
0x10e: {  	s22 =	sshra.s32 s20, $0x2;
	s20 =	smov.u32 s21;
	v7 =	vld.idx.msk [tilespmem:v7+s4+$0x0], $0xffff  }
0x10f: {  	v0 =	vld.idx.msk [tilespmem:v0+s4+$0x0], $0xffff;
	[tilespmem:s22+$0x1C870] =	vst v15  }
0x110: {  	[tilespmem:s22+$0x1C700] =	vst v1  }
0x111: {  	[tilespmem:s22+$0x1C710] =	vst v2  }
0x112: {  	[tilespmem:s22+$0x1C720] =	vst v8  }
0x113: {  	[tilespmem:s22+$0x1C730] =	vst v9  }
0x114: {  	[tilespmem:s22+$0x1C740] =	vst v10  }
0x115: {  	[tilespmem:s22+$0x1C750] =	vst v11  }
0x116: {  	[tilespmem:s22+$0x1C760] =	vst v12  }
0x117: {  	[tilespmem:s22+$0x1C770] =	vst v13  }
0x118: {  	[tilespmem:s22+$0x1C800] =	vst v14  }
0x119: {  	[tilespmem:s22+$0x1C810] =	vst v3  }
0x11a: {  	[tilespmem:s22+$0x1C820] =	vst v4  }
0x11b: {  	[tilespmem:s22+$0x1C830] =	vst v5  }
0x11c: {  	[tilespmem:s22+$0x1C840] =	vst v6  }
0x11d: {  	[tilespmem:s22+$0x1C850] =	vst v7  }
0x11e: {  	s19 =	sadd.s32 $0x100, s19;
	[tilespmem:s22+$0x1C860] =	vst v0  }
0x11f: {  	v1 =	vld [tilespmem:s19+$0xFFFFFF10]  }
0x120: {  	v2 =	vld [tilespmem:s19+$0xFFFFFF20]  }
0x121: {  	v8 =	vld [tilespmem:s19+$0xFFFFFF30]  }
0x122: {  	v9 =	vld [tilespmem:s19+$0xFFFFFF40]  }
0x123: {  	v10 =	vld [tilespmem:s19+$0xFFFFFF50]  }
0x124: {  	v11 =	vld [tilespmem:s19+$0xFFFFFF60]  }
0x125: {  	v12 =	vld [tilespmem:s19+$0xFFFFFF70]  }
0x126: {  	v13 =	vld [tilespmem:s19+$0xFFFFFF80]  }
0x127: {  	v14 =	vld [tilespmem:s19+$0xFFFFFF90]  }
0x128: {  	v3 =	vld [tilespmem:s19+$0xFFFFFFA0]  }
0x129: {  	v4 =	vld [tilespmem:s19+$0xFFFFFFB0]  }
0x12a: {  	v5 =	vld [tilespmem:s19+$0xFFFFFFC0]  }
0x12b: {  	v6 =	vld [tilespmem:s19+$0xFFFFFFD0]  }
.Ltmp4:
0x12c: {  	v7 =	vld [tilespmem:s19+$0xFFFFFFE0];
	(pc) =	sbr.rel @p0 .LBB2_11-.Ltmp4, $4  }
0x12d: {  	v0 =	vld [tilespmem:s19+$0xFFFFFFF0]  }
0x12e: {  	v15 =	vld [tilespmem:s19+$0x0]  }
0x12f: {  	v1 =	vld.idx.msk [tilespmem:v1+s4+$0x0], $0xffff  }
0x130: {  	s21 =	sadd.s32 $0x800, s21;
	v2 =	vld.idx.msk [tilespmem:v2+s4+$0x0], $0xffff  }
0x131: {  	_ =	sdelay $0x3  }
0x132: {  	v8 =	vld.idx.msk [tilespmem:v8+s4+$0x0], $0xffff  }
0x133: {  	v9 =	vld.idx.msk [tilespmem:v9+s4+$0x0], $0xffff  }
0x134: {  	v10 =	vld.idx.msk [tilespmem:v10+s4+$0x0], $0xffff  }
0x135: {  	v11 =	vld.idx.msk [tilespmem:v11+s4+$0x0], $0xffff  }
0x136: {  	v12 =	vld.idx.msk [tilespmem:v12+s4+$0x0], $0xffff  }
0x137: {  	v13 =	vld.idx.msk [tilespmem:v13+s4+$0x0], $0xffff  }
0x138: {  	v14 =	vld.idx.msk [tilespmem:v14+s4+$0x0], $0xffff  }
0x139: {  	v3 =	vld.idx.msk [tilespmem:v3+s4+$0x0], $0xffff  }
0x13a: {  	v4 =	vld.idx.msk [tilespmem:v4+s4+$0x0], $0xffff  }
0x13b: {  	v5 =	vld.idx.msk [tilespmem:v5+s4+$0x0], $0xffff  }
0x13c: {  	v6 =	vld.idx.msk [tilespmem:v6+s4+$0x0], $0xffff  }
0x13d: {  	v7 =	vld.idx.msk [tilespmem:v7+s4+$0x0], $0xffff  }
0x13e: {  	s21 =	sshra.s32 s20, $0x2;
	v0 =	vld.idx.msk [tilespmem:v0+s4+$0x0], $0xffff  }
0x13f: {  	v15 =	vld.idx.msk [tilespmem:v15+s4+$0x0], $0xffff;
	[tilespmem:s21+$0x1C700] =	vst v1  }
0x140: {  	[tilespmem:s21+$0x1C710] =	vst v2  }
0x141: {  	[tilespmem:s21+$0x1C720] =	vst v8  }
0x142: {  	[tilespmem:s21+$0x1C730] =	vst v9  }
0x143: {  	[tilespmem:s21+$0x1C740] =	vst v10  }
0x144: {  	[tilespmem:s21+$0x1C750] =	vst v11  }
0x145: {  	[tilespmem:s21+$0x1C760] =	vst v12  }
0x146: {  	[tilespmem:s21+$0x1C770] =	vst v13  }
0x147: {  	[tilespmem:s21+$0x1C800] =	vst v14  }
0x148: {  	[tilespmem:s21+$0x1C810] =	vst v3  }
0x149: {  	[tilespmem:s21+$0x1C820] =	vst v4  }
0x14a: {  	[tilespmem:s21+$0x1C830] =	vst v5  }
0x14b: {  	[tilespmem:s21+$0x1C840] =	vst v6  }
0x14c: {  	[tilespmem:s21+$0x1C850] =	vst v7  }
0x14d: {  	s19 =	sadd.s32 s18, s8;
	s20 =	simm.s32 $0x1C700;
	[tilespmem:s21+$0x1C860] =	vst v0  }
0x14e: {  	s22 =	simm.s32 $0x1C800;
	s23 =	sadd.s32 $0x0, s19;
	[tilespmem:s21+$0x1C870] =	vst v15;
	s21 =	simm.s32 $0x80  }
.LBB2_13:
0x14f: {  	[hbm4b:s23+s4] =	stream.linear.scatter [tilespmem:s20], [sflag:$0x3], $0x80, $0x38;
	[tilespmem:$0x1E700] =	vst v63  }
0x150: {  	s23 =	smov.u32 s21;
	s20 =	smov.u32 s22;
	p0 =	sne.s32 s21, $0xF80  }
.Ltmp5:
0x151: {  	s21 =	sadd.s32 $0x80, s21;
	(pc) =	sbr.rel @p0 .LBB2_13-.Ltmp5, $2  }
0x152: {  	_ =	sdelay $0x2  }
0x153: {  	s22 =	sadd.s32 $0x100, s22;
	s23 =	sadd.s32 s23, s19  }
0x154: {  	[hbm4b:s23+s4] =	stream.linear.scatter [tilespmem:s20], [sflag:$0x3], $0x80, $0x38;
	[tilespmem:$0x1E700] =	vst v63  }
0x155: {  	_ =	swait.ge [sflag:s14], $0x1000  }
0x156: {  	[sflag:s14] =	ssyncset.done $0x0  }
0x157: {  	s19 =	simm.s32 $0x1B7F0;
	[sflag:s14] =	ssyncadd.s32 $0xFFFFF000  }
0x158: {  	v1 =	vld [tilespmem:s19+$0xFFFFFF10]  }
0x159: {  	v2 =	vld [tilespmem:s19+$0xFFFFFF20]  }
0x15a: {  	v8 =	vld [tilespmem:s19+$0xFFFFFF30]  }
0x15b: {  	v9 =	vld [tilespmem:s19+$0xFFFFFF40]  }
0x15c: {  	v10 =	vld [tilespmem:s19+$0xFFFFFF50]  }
0x15d: {  	v11 =	vld [tilespmem:s19+$0xFFFFFF60]  }
0x15e: {  	v12 =	vld [tilespmem:s19+$0xFFFFFF70]  }
0x15f: {  	v13 =	vld [tilespmem:s19+$0xFFFFFF80]  }
0x160: {  	v14 =	vld [tilespmem:s19+$0xFFFFFF90]  }
0x161: {  	v3 =	vld [tilespmem:s19+$0xFFFFFFA0]  }
0x162: {  	v4 =	vld [tilespmem:s19+$0xFFFFFFB0]  }
0x163: {  	v5 =	vld [tilespmem:s19+$0xFFFFFFC0]  }
0x164: {  	v6 =	vld [tilespmem:s19+$0xFFFFFFD0]  }
0x165: {  	v7 =	vld [tilespmem:s19+$0xFFFFFFE0]  }
0x166: {  	v0 =	vld [tilespmem:s19+$0xFFFFFFF0]  }
0x167: {  	v15 =	vld [tilespmem:s19+$0x0]  }
0x168: {  	v1 =	vld.idx.msk [tilespmem:v1+s4+$0x0], $0xffff  }
0x169: {  	s20 =	simm.s32 $0x0;
	s21 =	simm.s32 $0x800;
	v2 =	vld.idx.msk [tilespmem:v2+s4+$0x0], $0xffff  }
.LBB2_15:
0x16a: {  	p0 =	sne.s32 s21, $0x7800;
	v8 =	vld.idx.msk [tilespmem:v8+s4+$0x0], $0xffff  }
0x16b: {  	v9 =	vld.idx.msk [tilespmem:v9+s4+$0x0], $0xffff  }
0x16c: {  	v10 =	vld.idx.msk [tilespmem:v10+s4+$0x0], $0xffff  }
0x16d: {  	v11 =	vld.idx.msk [tilespmem:v11+s4+$0x0], $0xffff  }
0x16e: {  	v12 =	vld.idx.msk [tilespmem:v12+s4+$0x0], $0xffff  }
0x16f: {  	v13 =	vld.idx.msk [tilespmem:v13+s4+$0x0], $0xffff  }
0x170: {  	v14 =	vld.idx.msk [tilespmem:v14+s4+$0x0], $0xffff  }
0x171: {  	v15 =	vld.idx.msk [tilespmem:v15+s4+$0x0], $0xffff  }
0x172: {  	v3 =	vld.idx.msk [tilespmem:v3+s4+$0x0], $0xffff  }
0x173: {  	v4 =	vld.idx.msk [tilespmem:v4+s4+$0x0], $0xffff  }
0x174: {  	v5 =	vld.idx.msk [tilespmem:v5+s4+$0x0], $0xffff  }
0x175: {  	v6 =	vld.idx.msk [tilespmem:v6+s4+$0x0], $0xffff  }
0x176: {  	s22 =	sshra.s32 s20, $0x2;
	s20 =	smov.u32 s21;
	v7 =	vld.idx.msk [tilespmem:v7+s4+$0x0], $0xffff  }
0x177: {  	v0 =	vld.idx.msk [tilespmem:v0+s4+$0x0], $0xffff;
	[tilespmem:s22+$0x1C8F0] =	vst v15  }
0x178: {  	[tilespmem:s22+$0x1C780] =	vst v1  }
0x179: {  	[tilespmem:s22+$0x1C790] =	vst v2  }
0x17a: {  	[tilespmem:s22+$0x1C7A0] =	vst v8  }
0x17b: {  	[tilespmem:s22+$0x1C7B0] =	vst v9  }
0x17c: {  	[tilespmem:s22+$0x1C7C0] =	vst v10  }
0x17d: {  	[tilespmem:s22+$0x1C7D0] =	vst v11  }
0x17e: {  	[tilespmem:s22+$0x1C7E0] =	vst v12  }
0x17f: {  	[tilespmem:s22+$0x1C7F0] =	vst v13  }
0x180: {  	[tilespmem:s22+$0x1C880] =	vst v14  }
0x181: {  	[tilespmem:s22+$0x1C890] =	vst v3  }
0x182: {  	[tilespmem:s22+$0x1C8A0] =	vst v4  }
0x183: {  	[tilespmem:s22+$0x1C8B0] =	vst v5  }
0x184: {  	[tilespmem:s22+$0x1C8C0] =	vst v6  }
0x185: {  	[tilespmem:s22+$0x1C8D0] =	vst v7  }
0x186: {  	s19 =	sadd.s32 $0x100, s19;
	[tilespmem:s22+$0x1C8E0] =	vst v0  }
0x187: {  	v1 =	vld [tilespmem:s19+$0xFFFFFF10]  }
0x188: {  	v2 =	vld [tilespmem:s19+$0xFFFFFF20]  }
0x189: {  	v8 =	vld [tilespmem:s19+$0xFFFFFF30]  }
0x18a: {  	v9 =	vld [tilespmem:s19+$0xFFFFFF40]  }
0x18b: {  	v10 =	vld [tilespmem:s19+$0xFFFFFF50]  }
0x18c: {  	v11 =	vld [tilespmem:s19+$0xFFFFFF60]  }
0x18d: {  	v12 =	vld [tilespmem:s19+$0xFFFFFF70]  }
0x18e: {  	v13 =	vld [tilespmem:s19+$0xFFFFFF80]  }
0x18f: {  	v14 =	vld [tilespmem:s19+$0xFFFFFF90]  }
0x190: {  	v3 =	vld [tilespmem:s19+$0xFFFFFFA0]  }
0x191: {  	v4 =	vld [tilespmem:s19+$0xFFFFFFB0]  }
0x192: {  	v5 =	vld [tilespmem:s19+$0xFFFFFFC0]  }
0x193: {  	v6 =	vld [tilespmem:s19+$0xFFFFFFD0]  }
.Ltmp6:
0x194: {  	v7 =	vld [tilespmem:s19+$0xFFFFFFE0];
	(pc) =	sbr.rel @p0 .LBB2_15-.Ltmp6, $4  }
0x195: {  	v0 =	vld [tilespmem:s19+$0xFFFFFFF0]  }
0x196: {  	v15 =	vld [tilespmem:s19+$0x0]  }
0x197: {  	v1 =	vld.idx.msk [tilespmem:v1+s4+$0x0], $0xffff  }
0x198: {  	s21 =	sadd.s32 $0x800, s21;
	v2 =	vld.idx.msk [tilespmem:v2+s4+$0x0], $0xffff  }
0x199: {  	_ =	sdelay $0x3  }
0x19a: {  	v8 =	vld.idx.msk [tilespmem:v8+s4+$0x0], $0xffff  }
0x19b: {  	v9 =	vld.idx.msk [tilespmem:v9+s4+$0x0], $0xffff  }
0x19c: {  	v10 =	vld.idx.msk [tilespmem:v10+s4+$0x0], $0xffff  }
0x19d: {  	v11 =	vld.idx.msk [tilespmem:v11+s4+$0x0], $0xffff  }
0x19e: {  	v12 =	vld.idx.msk [tilespmem:v12+s4+$0x0], $0xffff  }
0x19f: {  	v13 =	vld.idx.msk [tilespmem:v13+s4+$0x0], $0xffff  }
0x1a0: {  	v14 =	vld.idx.msk [tilespmem:v14+s4+$0x0], $0xffff  }
0x1a1: {  	v3 =	vld.idx.msk [tilespmem:v3+s4+$0x0], $0xffff  }
0x1a2: {  	v4 =	vld.idx.msk [tilespmem:v4+s4+$0x0], $0xffff  }
0x1a3: {  	v5 =	vld.idx.msk [tilespmem:v5+s4+$0x0], $0xffff  }
0x1a4: {  	v6 =	vld.idx.msk [tilespmem:v6+s4+$0x0], $0xffff  }
0x1a5: {  	v7 =	vld.idx.msk [tilespmem:v7+s4+$0x0], $0xffff  }
0x1a6: {  	s20 =	sshra.s32 s20, $0x2;
	v0 =	vld.idx.msk [tilespmem:v0+s4+$0x0], $0xffff  }
0x1a7: {  	v15 =	vld.idx.msk [tilespmem:v15+s4+$0x0], $0xffff;
	[tilespmem:s20+$0x1C780] =	vst v1  }
0x1a8: {  	[tilespmem:s20+$0x1C790] =	vst v2  }
0x1a9: {  	[tilespmem:s20+$0x1C7A0] =	vst v8  }
0x1aa: {  	[tilespmem:s20+$0x1C7B0] =	vst v9  }
0x1ab: {  	[tilespmem:s20+$0x1C7C0] =	vst v10  }
0x1ac: {  	[tilespmem:s20+$0x1C7D0] =	vst v11  }
0x1ad: {  	[tilespmem:s20+$0x1C7E0] =	vst v12  }
0x1ae: {  	[tilespmem:s20+$0x1C7F0] =	vst v13  }
0x1af: {  	[tilespmem:s20+$0x1C880] =	vst v14  }
0x1b0: {  	[tilespmem:s20+$0x1C890] =	vst v3  }
0x1b1: {  	[tilespmem:s20+$0x1C8A0] =	vst v4  }
0x1b2: {  	[tilespmem:s20+$0x1C8B0] =	vst v5  }
0x1b3: {  	[tilespmem:s20+$0x1C8C0] =	vst v6  }
0x1b4: {  	[tilespmem:s20+$0x1C8D0] =	vst v7  }
0x1b5: {  	s18 =	sadd.s32 s18, s9;
	s19 =	simm.s32 $0x1C780;
	[tilespmem:s20+$0x1C8E0] =	vst v0  }
0x1b6: {  	s21 =	simm.s32 $0x1C880;
	s22 =	sadd.s32 $0x0, s18;
	[tilespmem:s20+$0x1C8F0] =	vst v15;
	s20 =	simm.s32 $0x80  }
.LBB2_17:
0x1b7: {  	[hbm4b:s22+s4] =	stream.linear.scatter [tilespmem:s19], [sflag:$0x3], $0x80, $0x38;
	[tilespmem:$0x1E700] =	vst v63  }
0x1b8: {  	s22 =	smov.u32 s20;
	s19 =	smov.u32 s21;
	p0 =	sne.s32 s20, $0xF80  }
.Ltmp7:
0x1b9: {  	s20 =	sadd.s32 $0x80, s20;
	(pc) =	sbr.rel @p0 .LBB2_17-.Ltmp7, $2  }
0x1ba: {  	_ =	sdelay $0x2  }
0x1bb: {  	s21 =	sadd.s32 $0x100, s21;
	s22 =	sadd.s32 s22, s18  }
0x1bc: {  	[hbm4b:s22+s4] =	stream.linear.scatter [tilespmem:s19], [sflag:$0x3], $0x80, $0x38;
	[tilespmem:$0x1E700] =	vst v63  }
0x1bd: {  	s16 =	sadd.s32 $0x1, s16  }
0x1be: {  	_ =	swait.ge [sflag:s14], $0x1000;
	p0 =	sne.s32 s16, $0x1A  }
.Ltmp8:
0x1bf: {  	[sflag:s14] =	ssyncset.done $0x0;
	(pc) =	sbr.rel @p0 .LBB2_2-.Ltmp8, $4  }
0x1c0: {  	[sflag:s14] =	ssyncadd.s32 $0xFFFFF000  }
0x1c1: {  	_ =	swait.ge [sflag:s14], $0x1000  }
0x1c2: {  	[sflag:s14] =	ssyncset.done $0x0  }
0x1c3: {  	[sflag:s14] =	ssyncadd.s32 $0xFFFFF000  }
0x1c4: {  	s15 =	sadd.s32 $0x1, s15  }
0x1c5: {  	p0 =	sne.s32 s15, s10  }
.Ltmp9:
0x1c6: {  	_ = 	snop;
	(pc) =	sbr.rel @p0 .LBB2_1-.Ltmp9, $1  }
0x1c7: {  	_ =	sdelay $0x3  }
0x1c8: {  	_ =	sfence.sel $0x180000  }
0x1c9: {  	[bflag:$0x0] =	sbarrier.arrive $0xFFFF  }
0x1ca: {  	p0 =	sne.s32 s3, $0x0;
	_ =	strace $0x90000047  }
0x1cb: {  	s0 =	sadd.s32 @!p0 $0x100000, s0;
	[bflag:$0x2] =	sbarrier.arrive $0xFFFF  }
0x1cc: {  	[sflag:s0] =	ssyncadd.tile.s32 @!p0 $0x1;
	_ =	shalt  }
.Lfunc_end2:
_tile_overlayer_lowered:
.L_overlay_start_2:
0x1cd: {  	(tag) =	ssettag $0x2  }
0x1ce: {  	s0 =	rddreg [dreg:$0x0];
	s2 =	stileid.u32  }
0x1cf: {  	s1 =	rddreg [dreg:$0x1];
	p0 =	sne.s32 s2, $0x0  }
0x1d0: {  	s3 =	rddreg [dreg:$0x2];
	[bflag:$0x3] =	sbarrier.arrive $0xFFFF;
	s2 =	simm.s32 @!p0 $0x1C04  }
0x1d1: {  	[timem:s3], [sflag:s2] =	dma.local @!p0 [hbm:s0], s1  }
0x1d2: {  	s0 =	simm.s32 @!p0 $0x4  }
0x1d3: {  	_ =	swait.ge @!p0 [sflag:s0], s1  }
0x1d4: {  	s1 =	ssub.s32 @!p0 $0x0, s1;
	[sflag:s0] =	ssyncset.done @!p0 $0x0  }
0x1d5: {  	[sflag:s0] =	ssyncadd.s32 @!p0 s1  }
0x1d6: {  	[bflag:$0x3] =	sbarrier.arrive $0xFFFF  }
0x1d7: {  	_ =	shalt  }

</sc_bundles>
